<compile_context>
chip_gen: v7x
topology: tpu7x:2x2x1
jax: 0.10.2.dev20260603
libtpu: 0.0.44.dev20260713+nightly
codegen_flags: <defaults>
</compile_context>

<pallas_src>
import jax
import jax.numpy as jnp
from jax import lax
from jax.experimental import pallas as pl
from jax.experimental.pallas import tpu as pltpu
from jax.experimental.pallas import tpu_sc as plsc

N_NODES = 10000
N_EDGES = 160000
F_IN = 256
HID = 16

NC, NS, LANES = 2, 16, 16
NW = NC * NS
N_PAD = 10240
ROWS_PER_TILE = N_PAD // NS
ZCHUNK = 128
NZ = ROWS_PER_TILE // ZCHUNK
EPT = N_EDGES // NW
VFULL = EPT // LANES
TAIL = EPT - VFULL * LANES

_mesh = plsc.VectorSubcoreMesh(core_axis_name="c", subcore_axis_name="s")

_sc_params = pltpu.CompilerParams(
    needs_layout_passes=False, use_tc_tiling_on_sc=False)


def _deg_body(ei, out, hs, hd, si, di, sem):
    cid = lax.axis_index("c")
    sid = lax.axis_index("s")
    wid = cid * NS + sid
    zeros = jnp.zeros((LANES,), jnp.float32)

    csi = pltpu.async_copy(ei.at[0, pl.ds(wid * EPT, EPT)], si.at[pl.ds(0, EPT)], sem)
    cdi = pltpu.async_copy(ei.at[1, pl.ds(wid * EPT, EPT)], di.at[pl.ds(0, EPT)], sem)

    @pl.loop(0, N_PAD // LANES, step=8)
    def _(i):
        for k in range(8):
            hs[pl.ds((i + k) * LANES, LANES)] = zeros
            hd[pl.ds((i + k) * LANES, LANES)] = zeros

    csi.wait()
    cdi.wait()
    ones = jnp.ones((LANES,), jnp.float32)

    @pl.loop(0, VFULL - VFULL % 4, step=4)
    def _(v):
        for k in range(4):
            plsc.addupdate_scatter(hs, [si[pl.ds((v + k) * LANES, LANES)]], ones)
            plsc.addupdate_scatter(hd, [di[pl.ds((v + k) * LANES, LANES)]], ones)

    @pl.loop(VFULL - VFULL % 4, VFULL)
    def _(v):
        plsc.addupdate_scatter(hs, [si[pl.ds(v * LANES, LANES)]], ones)
        plsc.addupdate_scatter(hd, [di[pl.ds(v * LANES, LANES)]], ones)

    tmask = lax.iota(jnp.int32, LANES) < TAIL
    plsc.addupdate_scatter(hs, [si[pl.ds(VFULL * LANES, LANES)]], ones, mask=tmask)
    plsc.addupdate_scatter(hd, [di[pl.ds(VFULL * LANES, LANES)]], ones, mask=tmask)

    pltpu.sync_copy(hs, out.at[wid])
    pltpu.sync_copy(hd, out.at[NW + wid])


def _sc_degrees(ei):
    k = pl.kernel(
        _deg_body,
        out_type=jax.ShapeDtypeStruct((2 * NW, N_PAD), jnp.float32),
        mesh=_mesh,
        scratch_types=[
            pltpu.VMEM((N_PAD,), jnp.float32),
            pltpu.VMEM((N_PAD,), jnp.float32),
            pltpu.VMEM((VFULL * LANES + LANES,), jnp.int32),
            pltpu.VMEM((VFULL * LANES + LANES,), jnp.int32),
            pltpu.SemaphoreType.DMA,
        ],
        compiler_params=_sc_params,
    )
    return k(ei)


def _agg_body(h, ei, out, si, di, rows, zb, acc, isem, gsem):
    cid = lax.axis_index("c")
    sid = lax.axis_index("s")
    wid = cid * NS + sid
    zeros = jnp.zeros((LANES,), jnp.float32)

    csi = pltpu.async_copy(ei.at[0, pl.ds(wid * EPT, EPT)], si, isem)
    cdi = pltpu.async_copy(ei.at[1, pl.ds(wid * EPT, EPT)], di, isem)

    @pl.loop(0, ZCHUNK, step=8)
    def _(i):
        for k in range(8):
            zb[i + k, :] = zeros

    csi.wait()
    g = pltpu.async_copy(h.at[si], rows, gsem)

    @pl.loop(0, NZ)
    def _(kk):
        pltpu.sync_copy(zb, acc.at[pl.ds(sid * ROWS_PER_TILE + kk * ZCHUNK, ZCHUNK)])

    cdi.wait()
    plsc.subcore_barrier()
    g.wait()
    pltpu.sync_copy(rows, acc.at[di], add=True)

    plsc.subcore_barrier()
    pltpu.sync_copy(acc.at[pl.ds(sid * ROWS_PER_TILE, ROWS_PER_TILE)],
                    out.at[cid, pl.ds(sid * ROWS_PER_TILE, ROWS_PER_TILE)])


def _sc_agg(h, ei):
    k = pl.kernel(
        _agg_body,
        out_type=jax.ShapeDtypeStruct((NC, N_PAD, HID), jnp.float32),
        mesh=_mesh,
        scratch_types=[
            pltpu.VMEM((EPT,), jnp.int32),
            pltpu.VMEM((EPT,), jnp.int32),
            pltpu.VMEM((EPT, HID), jnp.float32),
            pltpu.VMEM((ZCHUNK, HID), jnp.float32),
            pltpu.VMEM_SHARED((N_PAD, HID), jnp.float32),
            pltpu.SemaphoreType.DMA,
            pltpu.SemaphoreType.DMA,
        ],
        compiler_params=_sc_params,
    )
    return k(h, ei)


_BM = 1024
_BMP = _BM // (128 // HID)
PROWS = N_PAD // (128 // HID)


def _packmask():
    r8 = 128 // HID
    m_row = lax.broadcasted_iota(jnp.int32, (_BM, 128), 0)
    c_col = lax.broadcasted_iota(jnp.int32, (_BM, 128), 1)
    return (m_row % r8 == c_col // HID).astype(jnp.float32)


def _grpsum(y):
    return jnp.sum(y.reshape(_BMP, 128 // HID, 128), axis=1)


def _mm1_body(x_ref, w1e_ref, degp_ref, hp_ref, nrmd_ref, nrms_ref):
    degp = degp_ref[...]
    deg_s = jnp.maximum(jnp.sum(degp[:NW], axis=0), 1.0)
    deg_d = jnp.maximum(jnp.sum(degp[NW:], axis=0), 1.0)
    mask = _packmask()
    nrms_col = lax.rsqrt(deg_s)[:, None]
    nrmd_col = lax.rsqrt(deg_d)[:, None]
    nrms_ref[...] = _grpsum(nrms_col * mask)
    nrmd_ref[...] = _grpsum(nrmd_col * mask)
    mm = jnp.dot(x_ref[...], w1e_ref[...], preferred_element_type=jnp.float32)
    hp_ref[...] = _grpsum(mm * (nrms_col * mask))


def _tc_mm1(features, W1e, degp):
    grid = N_PAD // _BM
    return pl.pallas_call(
        _mm1_body,
        grid=(grid,),
        in_specs=[
            pl.BlockSpec((_BM, F_IN), lambda i: (i, 0)),
            pl.BlockSpec((F_IN, 128), lambda i: (0, 0)),
            pl.BlockSpec((2 * NW, _BM), lambda i: (0, i)),
        ],
        out_specs=[
            pl.BlockSpec((_BMP, 128), lambda i: (i, 0)),
            pl.BlockSpec((_BMP, 128), lambda i: (i, 0)),
            pl.BlockSpec((_BMP, 128), lambda i: (i, 0)),
        ],
        out_shape=[
            jax.ShapeDtypeStruct((PROWS, 128), jnp.float32),
            jax.ShapeDtypeStruct((PROWS, 128), jnp.float32),
            jax.ShapeDtypeStruct((PROWS, 128), jnp.float32),
        ],
    )(features, W1e, degp)


def _mid_body(p_ref, nrmd_ref, nrms_ref, b1_ref, w2bd_ref, h2p_ref):
    agg = p_ref[0] + p_ref[1]
    t = jnp.maximum(agg * nrmd_ref[...] + b1_ref[...], 0.0)
    mm = jnp.dot(t, w2bd_ref[...], preferred_element_type=jnp.float32)
    h2p_ref[...] = mm * nrms_ref[...]


def _tc_mid(p1, nrmd_p, nrms_p, b1t, W2bd):
    grid = PROWS // _BMP
    return pl.pallas_call(
        _mid_body,
        grid=(grid,),
        in_specs=[
            pl.BlockSpec((NC, _BMP, 128), lambda i: (0, i, 0)),
            pl.BlockSpec((_BMP, 128), lambda i: (i, 0)),
            pl.BlockSpec((_BMP, 128), lambda i: (i, 0)),
            pl.BlockSpec((1, 128), lambda i: (0, 0)),
            pl.BlockSpec((128, 128), lambda i: (0, 0)),
        ],
        out_specs=pl.BlockSpec((_BMP, 128), lambda i: (i, 0)),
        out_shape=jax.ShapeDtypeStruct((PROWS, 128), jnp.float32),
    )(p1, nrmd_p, nrms_p, b1t, W2bd)


def _final_body(p_ref, nrmd_ref, b2_ref, out_ref):
    agg = p_ref[0] + p_ref[1]
    out_ref[...] = agg * nrmd_ref[...] + b2_ref[...]


def _tc_final(p2, nrmd_p, b2t):
    grid = PROWS // _BMP
    return pl.pallas_call(
        _final_body,
        grid=(grid,),
        in_specs=[
            pl.BlockSpec((NC, _BMP, 128), lambda i: (0, i, 0)),
            pl.BlockSpec((_BMP, 128), lambda i: (i, 0)),
            pl.BlockSpec((1, 128), lambda i: (0, 0)),
        ],
        out_specs=pl.BlockSpec((_BMP, 128), lambda i: (i, 0)),
        out_shape=jax.ShapeDtypeStruct((PROWS, 128), jnp.float32),
    )(p2, nrmd_p, b2t)


def kernel(features, edge_index, W1, b1, W2, b2):
    ei = edge_index.astype(jnp.int32)
    rep = 128 // HID
    b1t = jnp.tile(b1, rep).reshape(1, 128)
    b2t = jnp.tile(b2, rep).reshape(1, 128)
    W1e = jnp.tile(W1, (1, rep))
    W2bd = jnp.kron(jnp.eye(rep, dtype=jnp.float32), W2)

    degp = _sc_degrees(ei)
    h1p, nrmd_p, nrms_p = _tc_mm1(features, W1e, degp)
    p1 = _sc_agg(h1p.reshape(N_PAD, HID), ei)
    h2p = _tc_mid(p1.reshape(NC, PROWS, 128), nrmd_p, nrms_p, b1t, W2bd)
    p2 = _sc_agg(h2p.reshape(N_PAD, HID), ei)
    outp = _tc_final(p2.reshape(NC, PROWS, 128), nrmd_p, b2t)
    return outp.reshape(N_PAD, HID)[:N_NODES]

# --- scband reference (transcript-rebuilt; emitter-appended) ---
"""Pipeline reference for scband-net-sub-attack-3-68204080660484 (READ-ONLY COPY).

The authoritative reference and input builder live on the scoring server;
editing this copy changes nothing except your own understanding.
"""

import jax, jax.numpy as jnp
import numpy as np

N_NODES = 10000
N_EDGES = 160000
FEATURE_NUM = 256
HIDDEN = 16
LABEL_NUM = 16


def setup_inputs(seed: int = 0) -> dict:
    key = jax.random.key(seed)
    k1, k2, k3, k4, k5, k6 = jax.random.split(key, 6)
    features = jax.random.normal(k1, (N_NODES, FEATURE_NUM), dtype=jnp.float32)
    edge_index = jax.random.randint(k2, (2, N_EDGES), 0, N_NODES, dtype=jnp.int64)
    # Glorot-uniform init like dgl GraphConv
    lim1 = float(np.sqrt(6.0 / (FEATURE_NUM + HIDDEN)))
    W1 = jax.random.uniform(k3, (FEATURE_NUM, HIDDEN), dtype=jnp.float32, minval=-lim1, maxval=lim1)
    b1 = jnp.zeros((HIDDEN,), dtype=jnp.float32)
    lim2 = float(np.sqrt(6.0 / (HIDDEN + LABEL_NUM)))
    W2 = jax.random.uniform(k4, (HIDDEN, LABEL_NUM), dtype=jnp.float32, minval=-lim2, maxval=lim2)
    b2 = jnp.zeros((LABEL_NUM,), dtype=jnp.float32)
    return {"features": features, "edge_index": edge_index, "W1": W1, "b1": b1, "W2": W2, "b2": b2}


def _graph_conv(x, W, b, src, dst, norm_src, norm_dst, n_nodes):
    # dgl GraphConv with norm='both': D_out^{-1/2} applied to src feats,
    # sum-aggregate over edges, D_in^{-1/2} applied to dst, linear weight + bias.
    h = x @ W
    h = h * norm_src
    msgs = jnp.take(h, src, axis=0)
    agg = jax.ops.segment_sum(msgs, dst, num_segments=n_nodes)
    agg = agg * norm_dst
    return agg + b


def reference(features, edge_index, W1, b1, W2, b2):
    n_nodes = features.shape[0]
    src = edge_index[0]
    dst = edge_index[1]
    ones = jnp.ones((src.shape[0],), dtype=jnp.float32)
    deg_out = jax.ops.segment_sum(ones, src, num_segments=n_nodes)
    deg_in = jax.ops.segment_sum(ones, dst, num_segments=n_nodes)
    deg_out = jnp.clip(deg_out, 1.0, None)
    deg_in = jnp.clip(deg_in, 1.0, None)
    norm_src = (deg_out ** -0.5)[:, None]
    norm_dst = (deg_in ** -0.5)[:, None]
    # layer 0: GraphConv(FEATURE_NUM, 16, activation=F.relu)
    h = _graph_conv(features, W1, b1, src, dst, norm_src, norm_dst, n_nodes)
    h = jax.nn.relu(h)  # GraphConv's own activation
    h = jax.nn.relu(h)  # outer F.relu in forward (idempotent but faithful)
    # layer 1: GraphConv(16, LABEL_NUM), no activation
    out = _graph_conv(h, W2, b2, src, dst, norm_src, norm_dst, n_nodes)
    return out

if __name__ == "__main__":
    import jax
    _d = setup_inputs()
    print(jax.jit(kernel)(*tuple(_d.values())))

</pallas_src>

<mosaic_0001>
#map = affine_map<(d0, d1) -> (0, 0)>
module attributes {stable_mosaic.version = 14 : i64} {
  func.func @_deg_body(%arg0: i32, %arg1: i32, %arg2: memref<2x160000xi32, #tpu.memory_space<hbm>>, %arg3: memref<64x10240xf32, #tpu.memory_space<hbm>>, %arg4: memref<10240xf32, #tpu.memory_space<vmem>>, %arg5: memref<10240xf32, #tpu.memory_space<vmem>>, %arg6: memref<5008xi32, #tpu.memory_space<vmem>>, %arg7: memref<5008xi32, #tpu.memory_space<vmem>>, %arg8: memref<!tpu.dma_semaphore, #tpu.memory_space<semaphore_mem>>) attributes {dimension_semantics = [#tpu.dimension_semantics<core_parallel>, #tpu.dimension_semantics<subcore_parallel>], iteration_bounds = array<i64: 2, 16>, scalar_prefetch = 0 : i64, scratch_operands = 5 : i64, tpu.core_type = #tpu.core_type<sc_vector_subcore>, window_params = [{transform_indices = #map}, {transform_indices = #map}]} {
    %mul3A = arith.constant 16 : i32
    %mul3A_0 = arith.muli %arg0, %mul3A : i32
    %add3A = arith.addi %mul3A_0, %arg1 : i32
    %broadcast_in_dim3A = arith.constant 0.000000e+00 : f32
    %broadcast_in_dim3A_1 = vector.broadcast %broadcast_in_dim3A : f32 to vector<16xf32>
    %mul3A_2 = arith.constant 5000 : i32
    %mul3A_3 = arith.muli %add3A, %mul3A_2 : i32
    %dma_start3A = arith.constant 0 : i32
    %dma_start3A_4 = arith.constant 0 : i32
    %dma_start3A_5 = tpu.memref_slice %arg6[%dma_start3A_4] : memref<5008xi32, #tpu.memory_space<vmem>> -> memref<5000xi32, #tpu.memory_space<vmem>>
    %dma_start3A_6 = tpu.memref_slice %arg2[%dma_start3A, %mul3A_3] : memref<2x160000xi32, #tpu.memory_space<hbm>> -> memref<1x5000xi32, #tpu.memory_space<hbm>>
    %dma_start3A_7 = tpu.memref_squeeze %dma_start3A_6 : memref<1x5000xi32, #tpu.memory_space<hbm>> -> memref<5000xi32, #tpu.memory_space<hbm>>
    %dma_start3A_8 = arith.constant 0 : i32
    %dma_start3A_9 = tpu.memref_slice %arg6[%dma_start3A_8] : memref<5008xi32, #tpu.memory_space<vmem>> -> memref<5000xi32, #tpu.memory_space<vmem>>
    %dma_start3A_10 = tpu.memref_slice %arg2[%dma_start3A, %mul3A_3] : memref<2x160000xi32, #tpu.memory_space<hbm>> -> memref<1x5000xi32, #tpu.memory_space<hbm>>
    %dma_start3A_11 = tpu.memref_squeeze %dma_start3A_10 : memref<1x5000xi32, #tpu.memory_space<hbm>> -> memref<5000xi32, #tpu.memory_space<hbm>>
    tpu.enqueue_dma source(%dma_start3A_11 : memref<5000xi32, #tpu.memory_space<hbm>>) target(%dma_start3A_9 : memref<5000xi32, #tpu.memory_space<vmem>>) target_semaphore(%arg8 : memref<!tpu.dma_semaphore, #tpu.memory_space<semaphore_mem>>)
    %mul3A_12 = arith.constant 5000 : i32
    %mul3A_13 = arith.muli %add3A, %mul3A_12 : i32
    %dma_start3A_14 = arith.constant 1 : i32
    %dma_start3A_15 = arith.constant 0 : i32
    %dma_start3A_16 = tpu.memref_slice %arg7[%dma_start3A_15] : memref<5008xi32, #tpu.memory_space<vmem>> -> memref<5000xi32, #tpu.memory_space<vmem>>
    %dma_start3A_17 = tpu.memref_slice %arg2[%dma_start3A_14, %mul3A_13] : memref<2x160000xi32, #tpu.memory_space<hbm>> -> memref<1x5000xi32, #tpu.memory_space<hbm>>
    %dma_start3A_18 = tpu.memref_squeeze %dma_start3A_17 : memref<1x5000xi32, #tpu.memory_space<hbm>> -> memref<5000xi32, #tpu.memory_space<hbm>>
    %dma_start3A_19 = arith.constant 0 : i32
    %dma_start3A_20 = tpu.memref_slice %arg7[%dma_start3A_19] : memref<5008xi32, #tpu.memory_space<vmem>> -> memref<5000xi32, #tpu.memory_space<vmem>>
    %dma_start3A_21 = tpu.memref_slice %arg2[%dma_start3A_14, %mul3A_13] : memref<2x160000xi32, #tpu.memory_space<hbm>> -> memref<1x5000xi32, #tpu.memory_space<hbm>>
    %dma_start3A_22 = tpu.memref_squeeze %dma_start3A_21 : memref<1x5000xi32, #tpu.memory_space<hbm>> -> memref<5000xi32, #tpu.memory_space<hbm>>
    tpu.enqueue_dma source(%dma_start3A_22 : memref<5000xi32, #tpu.memory_space<hbm>>) target(%dma_start3A_20 : memref<5000xi32, #tpu.memory_space<vmem>>) target_semaphore(%arg8 : memref<!tpu.dma_semaphore, #tpu.memory_space<semaphore_mem>>)
    %scan3A = arith.constant 0 : i32
    %scan3A_23 = arith.constant 80 : i32
    %scan3A_24 = arith.addi %scan3A, %scan3A_23 : i32
    %scan3A_25 = arith.constant 1 : i32
    scf.for %scan3A_62 = %scan3A to %scan3A_24 step %scan3A_25  : i32 {
      %mul3A_63 = arith.constant 8 : i32
      %mul3A_64 = arith.muli %scan3A_62, %mul3A_63 : i32
      %add3A_65 = arith.constant 0 : i32
      %add3A_66 = arith.addi %add3A_65, %mul3A_64 : i32
      %add3A_67 = arith.constant 0 : i32
      %add3A_68 = arith.addi %add3A_66, %add3A_67 : i32
      %mul3A_69 = arith.constant 16 : i32
      %mul3A_70 = arith.muli %add3A_68, %mul3A_69 : i32
      %swap3A = arith.index_cast %mul3A_70 : i32 to index
      %swap3A_71 = tpu.vector_load %arg4[%swap3A] {strides = array<i32>} : memref<10240xf32, #tpu.memory_space<vmem>>, vector<16xf32>,
      tpu.vector_store %arg4[%swap3A], %broadcast_in_dim3A_1 {strides = array<i32>} : memref<10240xf32, #tpu.memory_space<vmem>>, vector<16xf32>,
      %add3A_72 = arith.constant 0 : i32
      %add3A_73 = arith.addi %add3A_66, %add3A_72 : i32
      %mul3A_74 = arith.constant 16 : i32
      %mul3A_75 = arith.muli %add3A_73, %mul3A_74 : i32
      %swap3A_76 = arith.index_cast %mul3A_75 : i32 to index
      %swap3A_77 = tpu.vector_load %arg5[%swap3A_76] {strides = array<i32>} : memref<10240xf32, #tpu.memory_space<vmem>>, vector<16xf32>,
      tpu.vector_store %arg5[%swap3A_76], %broadcast_in_dim3A_1 {strides = array<i32>} : memref<10240xf32, #tpu.memory_space<vmem>>, vector<16xf32>,
      %add3A_78 = arith.constant 1 : i32
      %add3A_79 = arith.addi %add3A_66, %add3A_78 : i32
      %mul3A_80 = arith.constant 16 : i32
      %mul3A_81 = arith.muli %add3A_79, %mul3A_80 : i32
      %swap3A_82 = arith.index_cast %mul3A_81 : i32 to index
      %swap3A_83 = tpu.vector_load %arg4[%swap3A_82] {strides = array<i32>} : memref<10240xf32, #tpu.memory_space<vmem>>, vector<16xf32>,
      tpu.vector_store %arg4[%swap3A_82], %broadcast_in_dim3A_1 {strides = array<i32>} : memref<10240xf32, #tpu.memory_space<vmem>>, vector<16xf32>,
      %add3A_84 = arith.constant 1 : i32
      %add3A_85 = arith.addi %add3A_66, %add3A_84 : i32
      %mul3A_86 = arith.constant 16 : i32
      %mul3A_87 = arith.muli %add3A_85, %mul3A_86 : i32
      %swap3A_88 = arith.index_cast %mul3A_87 : i32 to index
      %swap3A_89 = tpu.vector_load %arg5[%swap3A_88] {strides = array<i32>} : memref<10240xf32, #tpu.memory_space<vmem>>, vector<16xf32>,
      tpu.vector_store %arg5[%swap3A_88], %broadcast_in_dim3A_1 {strides = array<i32>} : memref<10240xf32, #tpu.memory_space<vmem>>, vector<16xf32>,
      %add3A_90 = arith.constant 2 : i32
      %add3A_91 = arith.addi %add3A_66, %add3A_90 : i32
      %mul3A_92 = arith.constant 16 : i32
      %mul3A_93 = arith.muli %add3A_91, %mul3A_92 : i32
      %swap3A_94 = arith.index_cast %mul3A_93 : i32 to index
      %swap3A_95 = tpu.vector_load %arg4[%swap3A_94] {strides = array<i32>} : memref<10240xf32, #tpu.memory_space<vmem>>, vector<16xf32>,
      tpu.vector_store %arg4[%swap3A_94], %broadcast_in_dim3A_1 {strides = array<i32>} : memref<10240xf32, #tpu.memory_space<vmem>>, vector<16xf32>,
      %add3A_96 = arith.constant 2 : i32
      %add3A_97 = arith.addi %add3A_66, %add3A_96 : i32
      %mul3A_98 = arith.constant 16 : i32
      %mul3A_99 = arith.muli %add3A_97, %mul3A_98 : i32
      %swap3A_100 = arith.index_cast %mul3A_99 : i32 to index
      %swap3A_101 = tpu.vector_load %arg5[%swap3A_100] {strides = array<i32>} : memref<10240xf32, #tpu.memory_space<vmem>>, vector<16xf32>,
      tpu.vector_store %arg5[%swap3A_100], %broadcast_in_dim3A_1 {strides = array<i32>} : memref<10240xf32, #tpu.memory_space<vmem>>, vector<16xf32>,
      %add3A_102 = arith.constant 3 : i32
      %add3A_103 = arith.addi %add3A_66, %add3A_102 : i32
      %mul3A_104 = arith.constant 16 : i32
      %mul3A_105 = arith.muli %add3A_103, %mul3A_104 : i32
      %swap3A_106 = arith.index_cast %mul3A_105 : i32 to index
      %swap3A_107 = tpu.vector_load %arg4[%swap3A_106] {strides = array<i32>} : memref<10240xf32, #tpu.memory_space<vmem>>, vector<16xf32>,
      tpu.vector_store %arg4[%swap3A_106], %broadcast_in_dim3A_1 {strides = array<i32>} : memref<10240xf32, #tpu.memory_space<vmem>>, vector<16xf32>,
      %add3A_108 = arith.constant 3 : i32
      %add3A_109 = arith.addi %add3A_66, %add3A_108 : i32
      %mul3A_110 = arith.constant 16 : i32
      %mul3A_111 = arith.muli %add3A_109, %mul3A_110 : i32
      %swap3A_112 = arith.index_cast %mul3A_111 : i32 to index
      %swap3A_113 = tpu.vector_load %arg5[%swap3A_112] {strides = array<i32>} : memref<10240xf32, #tpu.memory_space<vmem>>, vector<16xf32>,
      tpu.vector_store %arg5[%swap3A_112], %broadcast_in_dim3A_1 {strides = array<i32>} : memref<10240xf32, #tpu.memory_space<vmem>>, vector<16xf32>,
      %add3A_114 = arith.constant 4 : i32
      %add3A_115 = arith.addi %add3A_66, %add3A_114 : i32
      %mul3A_116 = arith.constant 16 : i32
      %mul3A_117 = arith.muli %add3A_115, %mul3A_116 : i32
      %swap3A_118 = arith.index_cast %mul3A_117 : i32 to index
      %swap3A_119 = tpu.vector_load %arg4[%swap3A_118] {strides = array<i32>} : memref<10240xf32, #tpu.memory_space<vmem>>, vector<16xf32>,
      tpu.vector_store %arg4[%swap3A_118], %broadcast_in_dim3A_1 {strides = array<i32>} : memref<10240xf32, #tpu.memory_space<vmem>>, vector<16xf32>,
      %add3A_120 = arith.constant 4 : i32
      %add3A_121 = arith.addi %add3A_66, %add3A_120 : i32
      %mul3A_122 = arith.constant 16 : i32
      %mul3A_123 = arith.muli %add3A_121, %mul3A_122 : i32
      %swap3A_124 = arith.index_cast %mul3A_123 : i32 to index
      %swap3A_125 = tpu.vector_load %arg5[%swap3A_124] {strides = array<i32>} : memref<10240xf32, #tpu.memory_space<vmem>>, vector<16xf32>,
      tpu.vector_store %arg5[%swap3A_124], %broadcast_in_dim3A_1 {strides = array<i32>} : memref<10240xf32, #tpu.memory_space<vmem>>, vector<16xf32>,
      %add3A_126 = arith.constant 5 : i32
      %add3A_127 = arith.addi %add3A_66, %add3A_126 : i32
      %mul3A_128 = arith.constant 16 : i32
      %mul3A_129 = arith.muli %add3A_127, %mul3A_128 : i32
      %swap3A_130 = arith.index_cast %mul3A_129 : i32 to index
      %swap3A_131 = tpu.vector_load %arg4[%swap3A_130] {strides = array<i32>} : memref<10240xf32, #tpu.memory_space<vmem>>, vector<16xf32>,
      tpu.vector_store %arg4[%swap3A_130], %broadcast_in_dim3A_1 {strides = array<i32>} : memref<10240xf32, #tpu.memory_space<vmem>>, vector<16xf32>,
      %add3A_132 = arith.constant 5 : i32
      %add3A_133 = arith.addi %add3A_66, %add3A_132 : i32
      %mul3A_134 = arith.constant 16 : i32
      %mul3A_135 = arith.muli %add3A_133, %mul3A_134 : i32
      %swap3A_136 = arith.index_cast %mul3A_135 : i32 to index
      %swap3A_137 = tpu.vector_load %arg5[%swap3A_136] {strides = array<i32>} : memref<10240xf32, #tpu.memory_space<vmem>>, vector<16xf32>,
      tpu.vector_store %arg5[%swap3A_136], %broadcast_in_dim3A_1 {strides = array<i32>} : memref<10240xf32, #tpu.memory_space<vmem>>, vector<16xf32>,
      %add3A_138 = arith.constant 6 : i32
      %add3A_139 = arith.addi %add3A_66, %add3A_138 : i32
      %mul3A_140 = arith.constant 16 : i32
      %mul3A_141 = arith.muli %add3A_139, %mul3A_140 : i32
      %swap3A_142 = arith.index_cast %mul3A_141 : i32 to index
      %swap3A_143 = tpu.vector_load %arg4[%swap3A_142] {strides = array<i32>} : memref<10240xf32, #tpu.memory_space<vmem>>, vector<16xf32>,
      tpu.vector_store %arg4[%swap3A_142], %broadcast_in_dim3A_1 {strides = array<i32>} : memref<10240xf32, #tpu.memory_space<vmem>>, vector<16xf32>,
      %add3A_144 = arith.constant 6 : i32
      %add3A_145 = arith.addi %add3A_66, %add3A_144 : i32
      %mul3A_146 = arith.constant 16 : i32
      %mul3A_147 = arith.muli %add3A_145, %mul3A_146 : i32
      %swap3A_148 = arith.index_cast %mul3A_147 : i32 to index
      %swap3A_149 = tpu.vector_load %arg5[%swap3A_148] {strides = array<i32>} : memref<10240xf32, #tpu.memory_space<vmem>>, vector<16xf32>,
      tpu.vector_store %arg5[%swap3A_148], %broadcast_in_dim3A_1 {strides = array<i32>} : memref<10240xf32, #tpu.memory_space<vmem>>, vector<16xf32>,
      %add3A_150 = arith.constant 7 : i32
      %add3A_151 = arith.addi %add3A_66, %add3A_150 : i32
      %mul3A_152 = arith.constant 16 : i32
      %mul3A_153 = arith.muli %add3A_151, %mul3A_152 : i32
      %swap3A_154 = arith.index_cast %mul3A_153 : i32 to index
      %swap3A_155 = tpu.vector_load %arg4[%swap3A_154] {strides = array<i32>} : memref<10240xf32, #tpu.memory_space<vmem>>, vector<16xf32>,
      tpu.vector_store %arg4[%swap3A_154], %broadcast_in_dim3A_1 {strides = array<i32>} : memref<10240xf32, #tpu.memory_space<vmem>>, vector<16xf32>,
      %add3A_156 = arith.constant 7 : i32
      %add3A_157 = arith.addi %add3A_66, %add3A_156 : i32
      %mul3A_158 = arith.constant 16 : i32
      %mul3A_159 = arith.muli %add3A_157, %mul3A_158 : i32
      %swap3A_160 = arith.index_cast %mul3A_159 : i32 to index
      %swap3A_161 = tpu.vector_load %arg5[%swap3A_160] {strides = array<i32>} : memref<10240xf32, #tpu.memory_space<vmem>>, vector<16xf32>,
      tpu.vector_store %arg5[%swap3A_160], %broadcast_in_dim3A_1 {strides = array<i32>} : memref<10240xf32, #tpu.memory_space<vmem>>, vector<16xf32>,
    }
    %scan3A_26 = arith.constant 80 : i32
    %dma_wait3A = arith.constant 0 : i32
    %dma_wait3A_27 = arith.constant 0 : i32
    %dma_wait3A_28 = tpu.memref_slice %arg6[%dma_wait3A_27] : memref<5008xi32, #tpu.memory_space<vmem>> -> memref<5000xi32, #tpu.memory_space<vmem>>
    %dma_wait3A_29 = tpu.memref_slice %arg2[%dma_wait3A, %mul3A_3] : memref<2x160000xi32, #tpu.memory_space<hbm>> -> memref<1x5000xi32, #tpu.memory_space<hbm>>
    %dma_wait3A_30 = tpu.memref_squeeze %dma_wait3A_29 : memref<1x5000xi32, #tpu.memory_space<hbm>> -> memref<5000xi32, #tpu.memory_space<hbm>>
    %dma_wait3A_31 = arith.constant 0 : i32
    %dma_wait3A_32 = tpu.memref_slice %arg6[%dma_wait3A_31] : memref<5008xi32, #tpu.memory_space<vmem>> -> memref<5000xi32, #tpu.memory_space<vmem>>
    %dma_wait3A_33 = tpu.memref_slice %arg2[%dma_wait3A, %mul3A_3] : memref<2x160000xi32, #tpu.memory_space<hbm>> -> memref<1x5000xi32, #tpu.memory_space<hbm>>
    %dma_wait3A_34 = tpu.memref_squeeze %dma_wait3A_33 : memref<1x5000xi32, #tpu.memory_space<hbm>> -> memref<5000xi32, #tpu.memory_space<hbm>>
    tpu.wait_dma2 semaphore(%arg8 : memref<!tpu.dma_semaphore, #tpu.memory_space<semaphore_mem>>) src(%dma_wait3A_34 : memref<5000xi32, #tpu.memory_space<hbm>>) dst(%dma_wait3A_32 : memref<5000xi32, #tpu.memory_space<vmem>>)
    %dma_wait3A_35 = arith.constant 1 : i32
    %dma_wait3A_36 = arith.constant 0 : i32
    %dma_wait3A_37 = tpu.memref_slice %arg7[%dma_wait3A_36] : memref<5008xi32, #tpu.memory_space<vmem>> -> memref<5000xi32, #tpu.memory_space<vmem>>
    %dma_wait3A_38 = tpu.memref_slice %arg2[%dma_wait3A_35, %mul3A_13] : memref<2x160000xi32, #tpu.memory_space<hbm>> -> memref<1x5000xi32, #tpu.memory_space<hbm>>
    %dma_wait3A_39 = tpu.memref_squeeze %dma_wait3A_38 : memref<1x5000xi32, #tpu.memory_space<hbm>> -> memref<5000xi32, #tpu.memory_space<hbm>>
    %dma_wait3A_40 = arith.constant 0 : i32
    %dma_wait3A_41 = tpu.memref_slice %arg7[%dma_wait3A_40] : memref<5008xi32, #tpu.memory_space<vmem>> -> memref<5000xi32, #tpu.memory_space<vmem>>
    %dma_wait3A_42 = tpu.memref_slice %arg2[%dma_wait3A_35, %mul3A_13] : memref<2x160000xi32, #tpu.memory_space<hbm>> -> memref<1x5000xi32, #tpu.memory_space<hbm>>
    %dma_wait3A_43 = tpu.memref_squeeze %dma_wait3A_42 : memref<1x5000xi32, #tpu.memory_space<hbm>> -> memref<5000xi32, #tpu.memory_space<hbm>>
    tpu.wait_dma2 semaphore(%arg8 : memref<!tpu.dma_semaphore, #tpu.memory_space<semaphore_mem>>) src(%dma_wait3A_43 : memref<5000xi32, #tpu.memory_space<hbm>>) dst(%dma_wait3A_41 : memref<5000xi32, #tpu.memory_space<vmem>>)
    %broadcast_in_dim3A_44 = arith.constant 1.000000e+00 : f32
    %broadcast_in_dim3A_45 = vector.broadcast %broadcast_in_dim3A_44 : f32 to vector<16xf32>
    %scan3A_46 = arith.constant 0 : i32
    %scan3A_47 = arith.constant 78 : i32
    %scan3A_48 = arith.addi %scan3A_46, %scan3A_47 : i32
    %scan3A_49 = arith.constant 1 : i32
    scf.for %scan3A_62 = %scan3A_46 to %scan3A_48 step %scan3A_49  : i32 {
      %mul3A_63 = arith.constant 4 : i32
      %mul3A_64 = arith.muli %scan3A_62, %mul3A_63 : i32
      %add3A_65 = arith.constant 0 : i32
      %add3A_66 = arith.addi %add3A_65, %mul3A_64 : i32
      %add3A_67 = arith.constant 0 : i32
      %add3A_68 = arith.addi %add3A_66, %add3A_67 : i32
      %mul3A_69 = arith.constant 16 : i32
      %mul3A_70 = arith.muli %add3A_68, %mul3A_69 : i32
      %get3A_71 = arith.index_cast %mul3A_70 : i32 to index
      %get3A_72 = tpu.vector_load %arg6[%get3A_71] {strides = array<i32>} : memref<5008xi32, #tpu.memory_space<vmem>>, vector<16xi32>,
      tpu.vector_store_idx %arg4[%get3A_72], %broadcast_in_dim3A_45 {add = true} : memref<10240xf32, #tpu.memory_space<vmem>>[vector<16xi32>], vector<16xf32>,
      %add3A_73 = arith.constant 0 : i32
      %add3A_74 = arith.addi %add3A_66, %add3A_73 : i32
      %mul3A_75 = arith.constant 16 : i32
      %mul3A_76 = arith.muli %add3A_74, %mul3A_75 : i32
      %get3A_77 = arith.index_cast %mul3A_76 : i32 to index
      %get3A_78 = tpu.vector_load %arg7[%get3A_77] {strides = array<i32>} : memref<5008xi32, #tpu.memory_space<vmem>>, vector<16xi32>,
      tpu.vector_store_idx %arg5[%get3A_78], %broadcast_in_dim3A_45 {add = true} : memref<10240xf32, #tpu.memory_space<vmem>>[vector<16xi32>], vector<16xf32>,
      %add3A_79 = arith.constant 1 : i32
      %add3A_80 = arith.addi %add3A_66, %add3A_79 : i32
      %mul3A_81 = arith.constant 16 : i32
      %mul3A_82 = arith.muli %add3A_80, %mul3A_81 : i32
      %get3A_83 = arith.index_cast %mul3A_82 : i32 to index
      %get3A_84 = tpu.vector_load %arg6[%get3A_83] {strides = array<i32>} : memref<5008xi32, #tpu.memory_space<vmem>>, vector<16xi32>,
      tpu.vector_store_idx %arg4[%get3A_84], %broadcast_in_dim3A_45 {add = true} : memref<10240xf32, #tpu.memory_space<vmem>>[vector<16xi32>], vector<16xf32>,
      %add3A_85 = arith.constant 1 : i32
      %add3A_86 = arith.addi %add3A_66, %add3A_85 : i32
      %mul3A_87 = arith.constant 16 : i32
      %mul3A_88 = arith.muli %add3A_86, %mul3A_87 : i32
      %get3A_89 = arith.index_cast %mul3A_88 : i32 to index
      %get3A_90 = tpu.vector_load %arg7[%get3A_89] {strides = array<i32>} : memref<5008xi32, #tpu.memory_space<vmem>>, vector<16xi32>,
      tpu.vector_store_idx %arg5[%get3A_90], %broadcast_in_dim3A_45 {add = true} : memref<10240xf32, #tpu.memory_space<vmem>>[vector<16xi32>], vector<16xf32>,
      %add3A_91 = arith.constant 2 : i32
      %add3A_92 = arith.addi %add3A_66, %add3A_91 : i32
      %mul3A_93 = arith.constant 16 : i32
      %mul3A_94 = arith.muli %add3A_92, %mul3A_93 : i32
      %get3A_95 = arith.index_cast %mul3A_94 : i32 to index
      %get3A_96 = tpu.vector_load %arg6[%get3A_95] {strides = array<i32>} : memref<5008xi32, #tpu.memory_space<vmem>>, vector<16xi32>,
      tpu.vector_store_idx %arg4[%get3A_96], %broadcast_in_dim3A_45 {add = true} : memref<10240xf32, #tpu.memory_space<vmem>>[vector<16xi32>], vector<16xf32>,
      %add3A_97 = arith.constant 2 : i32
      %add3A_98 = arith.addi %add3A_66, %add3A_97 : i32
      %mul3A_99 = arith.constant 16 : i32
      %mul3A_100 = arith.muli %add3A_98, %mul3A_99 : i32
      %get3A_101 = arith.index_cast %mul3A_100 : i32 to index
      %get3A_102 = tpu.vector_load %arg7[%get3A_101] {strides = array<i32>} : memref<5008xi32, #tpu.memory_space<vmem>>, vector<16xi32>,
      tpu.vector_store_idx %arg5[%get3A_102], %broadcast_in_dim3A_45 {add = true} : memref<10240xf32, #tpu.memory_space<vmem>>[vector<16xi32>], vector<16xf32>,
      %add3A_103 = arith.constant 3 : i32
      %add3A_104 = arith.addi %add3A_66, %add3A_103 : i32
      %mul3A_105 = arith.constant 16 : i32
      %mul3A_106 = arith.muli %add3A_104, %mul3A_105 : i32
      %get3A_107 = arith.index_cast %mul3A_106 : i32 to index
      %get3A_108 = tpu.vector_load %arg6[%get3A_107] {strides = array<i32>} : memref<5008xi32, #tpu.memory_space<vmem>>, vector<16xi32>,
      tpu.vector_store_idx %arg4[%get3A_108], %broadcast_in_dim3A_45 {add = true} : memref<10240xf32, #tpu.memory_space<vmem>>[vector<16xi32>], vector<16xf32>,
      %add3A_109 = arith.constant 3 : i32
      %add3A_110 = arith.addi %add3A_66, %add3A_109 : i32
      %mul3A_111 = arith.constant 16 : i32
      %mul3A_112 = arith.muli %add3A_110, %mul3A_111 : i32
      %get3A_113 = arith.index_cast %mul3A_112 : i32 to index
      %get3A_114 = tpu.vector_load %arg7[%get3A_113] {strides = array<i32>} : memref<5008xi32, #tpu.memory_space<vmem>>, vector<16xi32>,
      tpu.vector_store_idx %arg5[%get3A_114], %broadcast_in_dim3A_45 {add = true} : memref<10240xf32, #tpu.memory_space<vmem>>[vector<16xi32>], vector<16xf32>,
    }
    %scan3A_50 = arith.constant 78 : i32
    %scan3A_51 = arith.constant 0 : i32
    %scan3A_52 = arith.constant 0 : i32
    %scan3A_53 = arith.addi %scan3A_51, %scan3A_52 : i32
    %scan3A_54 = arith.constant 0 : i32
    %iota3A = tpu.iota {dimensions = array<i32: 0>} : vector<16xi32>
    %lt3A = arith.constant 8 : i32
    %lt3A_55 = vector.broadcast %lt3A : i32 to vector<16xi32>
    %lt3A_56 = arith.cmpi slt, %iota3A, %lt3A_55 : vector<16xi32>
    %get3A = arith.constant 4992 : index
    %get3A_57 = tpu.vector_load %arg6[%get3A] {strides = array<i32>} : memref<5008xi32, #tpu.memory_space<vmem>>, vector<16xi32>,
    tpu.vector_store_idx %arg4[%get3A_57], %broadcast_in_dim3A_45 masked %lt3A_56 {add = true} : memref<10240xf32, #tpu.memory_space<vmem>>[vector<16xi32>], vector<16xf32>, vector<16xi1>
    %get3A_58 = arith.constant 4992 : index
    %get3A_59 = tpu.vector_load %arg7[%get3A_58] {strides = array<i32>} : memref<5008xi32, #tpu.memory_space<vmem>>, vector<16xi32>,
    tpu.vector_store_idx %arg5[%get3A_59], %broadcast_in_dim3A_45 masked %lt3A_56 {add = true} : memref<10240xf32, #tpu.memory_space<vmem>>[vector<16xi32>], vector<16xf32>, vector<16xi1>
    "tpu.region"() ({
      %run_scoped3A = tpu.sem_alloc : memref<!tpu.dma_semaphore, #tpu.memory_space<semaphore_mem>>
      %dma_start3A_62 = arith.constant 0 : i32
      %dma_start3A_63 = tpu.memref_slice %arg3[%add3A, %dma_start3A_62] : memref<64x10240xf32, #tpu.memory_space<hbm>> -> memref<1x10240xf32, #tpu.memory_space<hbm>>
      %dma_start3A_64 = tpu.memref_squeeze %dma_start3A_63 : memref<1x10240xf32, #tpu.memory_space<hbm>> -> memref<10240xf32, #tpu.memory_space<hbm>>
      %dma_start3A_65 = arith.constant 0 : i32
      %dma_start3A_66 = tpu.memref_slice %arg3[%add3A, %dma_start3A_65] : memref<64x10240xf32, #tpu.memory_space<hbm>> -> memref<1x10240xf32, #tpu.memory_space<hbm>>
      %dma_start3A_67 = tpu.memref_squeeze %dma_start3A_66 : memref<1x10240xf32, #tpu.memory_space<hbm>> -> memref<10240xf32, #tpu.memory_space<hbm>>
      tpu.enqueue_dma source(%arg4 : memref<10240xf32, #tpu.memory_space<vmem>>) target(%dma_start3A_67 : memref<10240xf32, #tpu.memory_space<hbm>>) target_semaphore(%run_scoped3A : memref<!tpu.dma_semaphore, #tpu.memory_space<semaphore_mem>>)
      %dma_wait3A_68 = arith.constant 0 : i32
      %dma_wait3A_69 = tpu.memref_slice %arg3[%add3A, %dma_wait3A_68] : memref<64x10240xf32, #tpu.memory_space<hbm>> -> memref<1x10240xf32, #tpu.memory_space<hbm>>
      %dma_wait3A_70 = tpu.memref_squeeze %dma_wait3A_69 : memref<1x10240xf32, #tpu.memory_space<hbm>> -> memref<10240xf32, #tpu.memory_space<hbm>>
      %dma_wait3A_71 = arith.constant 0 : i32
      %dma_wait3A_72 = tpu.memref_slice %arg3[%add3A, %dma_wait3A_71] : memref<64x10240xf32, #tpu.memory_space<hbm>> -> memref<1x10240xf32, #tpu.memory_space<hbm>>
      %dma_wait3A_73 = tpu.memref_squeeze %dma_wait3A_72 : memref<1x10240xf32, #tpu.memory_space<hbm>> -> memref<10240xf32, #tpu.memory_space<hbm>>
      tpu.wait_dma2 semaphore(%run_scoped3A : memref<!tpu.dma_semaphore, #tpu.memory_space<semaphore_mem>>) src(%arg4 : memref<10240xf32, #tpu.memory_space<vmem>>) dst(%dma_wait3A_73 : memref<10240xf32, #tpu.memory_space<hbm>>)
      tpu.yield
    }) : () -> ()
    %add3A_60 = arith.constant 32 : i32
    %add3A_61 = arith.addi %add3A_60, %add3A : i32
    "tpu.region"() ({
      %run_scoped3A = tpu.sem_alloc : memref<!tpu.dma_semaphore, #tpu.memory_space<semaphore_mem>>
      %dma_start3A_62 = arith.constant 0 : i32
      %dma_start3A_63 = tpu.memref_slice %arg3[%add3A_61, %dma_start3A_62] : memref<64x10240xf32, #tpu.memory_space<hbm>> -> memref<1x10240xf32, #tpu.memory_space<hbm>>
      %dma_start3A_64 = tpu.memref_squeeze %dma_start3A_63 : memref<1x10240xf32, #tpu.memory_space<hbm>> -> memref<10240xf32, #tpu.memory_space<hbm>>
      %dma_start3A_65 = arith.constant 0 : i32
      %dma_start3A_66 = tpu.memref_slice %arg3[%add3A_61, %dma_start3A_65] : memref<64x10240xf32, #tpu.memory_space<hbm>> -> memref<1x10240xf32, #tpu.memory_space<hbm>>
      %dma_start3A_67 = tpu.memref_squeeze %dma_start3A_66 : memref<1x10240xf32, #tpu.memory_space<hbm>> -> memref<10240xf32, #tpu.memory_space<hbm>>
      tpu.enqueue_dma source(%arg5 : memref<10240xf32, #tpu.memory_space<vmem>>) target(%dma_start3A_67 : memref<10240xf32, #tpu.memory_space<hbm>>) target_semaphore(%run_scoped3A : memref<!tpu.dma_semaphore, #tpu.memory_space<semaphore_mem>>)
      %dma_wait3A_68 = arith.constant 0 : i32
      %dma_wait3A_69 = tpu.memref_slice %arg3[%add3A_61, %dma_wait3A_68] : memref<64x10240xf32, #tpu.memory_space<hbm>> -> memref<1x10240xf32, #tpu.memory_space<hbm>>
      %dma_wait3A_70 = tpu.memref_squeeze %dma_wait3A_69 : memref<1x10240xf32, #tpu.memory_space<hbm>> -> memref<10240xf32, #tpu.memory_space<hbm>>
      %dma_wait3A_71 = arith.constant 0 : i32
      %dma_wait3A_72 = tpu.memref_slice %arg3[%add3A_61, %dma_wait3A_71] : memref<64x10240xf32, #tpu.memory_space<hbm>> -> memref<1x10240xf32, #tpu.memory_space<hbm>>
      %dma_wait3A_73 = tpu.memref_squeeze %dma_wait3A_72 : memref<1x10240xf32, #tpu.memory_space<hbm>> -> memref<10240xf32, #tpu.memory_space<hbm>>
      tpu.wait_dma2 semaphore(%run_scoped3A : memref<!tpu.dma_semaphore, #tpu.memory_space<semaphore_mem>>) src(%arg5 : memref<10240xf32, #tpu.memory_space<vmem>>) dst(%dma_wait3A_73 : memref<10240xf32, #tpu.memory_space<hbm>>)
      tpu.yield
    }) : () -> ()
    return
  }
}

#map = affine_map<(d0, d1) -> (0, 0)>
#map1 = affine_map<(d0, d1) -> (0, 0, 0)>
module attributes {stable_mosaic.version = 14 : i64} {
  func.func @_agg_body(%arg0: i32, %arg1: i32, %arg2: memref<10240x16xf32, #tpu.memory_space<hbm>>, %arg3: memref<2x160000xi32, #tpu.memory_space<hbm>>, %arg4: memref<2x10240x16xf32, #tpu.memory_space<hbm>>, %arg5: memref<5000xi32, #tpu.memory_space<vmem>>, %arg6: memref<5000xi32, #tpu.memory_space<vmem>>, %arg7: memref<5000x16xf32, #tpu.memory_space<vmem>>, %arg8: memref<128x16xf32, #tpu.memory_space<vmem>>, %arg9: memref<10240x16xf32, #tpu.memory_space<vmem_shared>>, %arg10: memref<!tpu.dma_semaphore, #tpu.memory_space<semaphore_mem>>, %arg11: memref<!tpu.dma_semaphore, #tpu.memory_space<semaphore_mem>>) attributes {dimension_semantics = [#tpu.dimension_semantics<core_parallel>, #tpu.dimension_semantics<subcore_parallel>], iteration_bounds = array<i64: 2, 16>, scalar_prefetch = 0 : i64, scratch_operands = 7 : i64, tpu.core_type = #tpu.core_type<sc_vector_subcore>, window_params = [{transform_indices = #map}, {transform_indices = #map}, {transform_indices = #map1}]} {
    %mul3A = arith.constant 16 : i32
    %mul3A_0 = arith.muli %arg0, %mul3A : i32
    %add3A = arith.addi %mul3A_0, %arg1 : i32
    %broadcast_in_dim3A = arith.constant 0.000000e+00 : f32
    %broadcast_in_dim3A_1 = vector.broadcast %broadcast_in_dim3A : f32 to vector<16xf32>
    %mul3A_2 = arith.constant 5000 : i32
    %mul3A_3 = arith.muli %add3A, %mul3A_2 : i32
    %dma_start3A = arith.constant 0 : i32
    %dma_start3A_4 = tpu.memref_slice %arg3[%dma_start3A, %mul3A_3] : memref<2x160000xi32, #tpu.memory_space<hbm>> -> memref<1x5000xi32, #tpu.memory_space<hbm>>
    %dma_start3A_5 = tpu.memref_squeeze %dma_start3A_4 : memref<1x5000xi32, #tpu.memory_space<hbm>> -> memref<5000xi32, #tpu.memory_space<hbm>>
    %dma_start3A_6 = tpu.memref_slice %arg3[%dma_start3A, %mul3A_3] : memref<2x160000xi32, #tpu.memory_space<hbm>> -> memref<1x5000xi32, #tpu.memory_space<hbm>>
    %dma_start3A_7 = tpu.memref_squeeze %dma_start3A_6 : memref<1x5000xi32, #tpu.memory_space<hbm>> -> memref<5000xi32, #tpu.memory_space<hbm>>
    tpu.enqueue_dma source(%dma_start3A_7 : memref<5000xi32, #tpu.memory_space<hbm>>) target(%arg5 : memref<5000xi32, #tpu.memory_space<vmem>>) target_semaphore(%arg10 : memref<!tpu.dma_semaphore, #tpu.memory_space<semaphore_mem>>)
    %mul3A_8 = arith.constant 5000 : i32
    %mul3A_9 = arith.muli %add3A, %mul3A_8 : i32
    %dma_start3A_10 = arith.constant 1 : i32
    %dma_start3A_11 = tpu.memref_slice %arg3[%dma_start3A_10, %mul3A_9] : memref<2x160000xi32, #tpu.memory_space<hbm>> -> memref<1x5000xi32, #tpu.memory_space<hbm>>
    %dma_start3A_12 = tpu.memref_squeeze %dma_start3A_11 : memref<1x5000xi32, #tpu.memory_space<hbm>> -> memref<5000xi32, #tpu.memory_space<hbm>>
    %dma_start3A_13 = tpu.memref_slice %arg3[%dma_start3A_10, %mul3A_9] : memref<2x160000xi32, #tpu.memory_space<hbm>> -> memref<1x5000xi32, #tpu.memory_space<hbm>>
    %dma_start3A_14 = tpu.memref_squeeze %dma_start3A_13 : memref<1x5000xi32, #tpu.memory_space<hbm>> -> memref<5000xi32, #tpu.memory_space<hbm>>
    tpu.enqueue_dma source(%dma_start3A_14 : memref<5000xi32, #tpu.memory_space<hbm>>) target(%arg6 : memref<5000xi32, #tpu.memory_space<vmem>>) target_semaphore(%arg10 : memref<!tpu.dma_semaphore, #tpu.memory_space<semaphore_mem>>)
    %scan3A = arith.constant 0 : i32
    %scan3A_15 = arith.constant 16 : i32
    %scan3A_16 = arith.addi %scan3A, %scan3A_15 : i32
    %scan3A_17 = arith.constant 1 : i32
    scf.for %scan3A_44 = %scan3A to %scan3A_16 step %scan3A_17  : i32 {
      %mul3A_45 = arith.constant 8 : i32
      %mul3A_46 = arith.muli %scan3A_44, %mul3A_45 : i32
      %add3A_47 = arith.constant 0 : i32
      %add3A_48 = arith.addi %add3A_47, %mul3A_46 : i32
      %add3A_49 = arith.constant 0 : i32
      %add3A_50 = arith.addi %add3A_48, %add3A_49 : i32
      %swap3A = arith.index_cast %add3A_50 : i32 to index
      %swap3A_51 = arith.constant 0 : index
      %swap3A_52 = tpu.vector_load %arg8[%swap3A, %swap3A_51] {strides = array<i32>} : memref<128x16xf32, #tpu.memory_space<vmem>>, vector<16xf32>,
      tpu.vector_store %arg8[%swap3A, %swap3A_51], %broadcast_in_dim3A_1 {strides = array<i32>} : memref<128x16xf32, #tpu.memory_space<vmem>>, vector<16xf32>,
      %add3A_53 = arith.constant 1 : i32
      %add3A_54 = arith.addi %add3A_48, %add3A_53 : i32
      %swap3A_55 = arith.index_cast %add3A_54 : i32 to index
      %swap3A_56 = arith.constant 0 : index
      %swap3A_57 = tpu.vector_load %arg8[%swap3A_55, %swap3A_56] {strides = array<i32>} : memref<128x16xf32, #tpu.memory_space<vmem>>, vector<16xf32>,
      tpu.vector_store %arg8[%swap3A_55, %swap3A_56], %broadcast_in_dim3A_1 {strides = array<i32>} : memref<128x16xf32, #tpu.memory_space<vmem>>, vector<16xf32>,
      %add3A_58 = arith.constant 2 : i32
      %add3A_59 = arith.addi %add3A_48, %add3A_58 : i32
      %swap3A_60 = arith.index_cast %add3A_59 : i32 to index
      %swap3A_61 = arith.constant 0 : index
      %swap3A_62 = tpu.vector_load %arg8[%swap3A_60, %swap3A_61] {strides = array<i32>} : memref<128x16xf32, #tpu.memory_space<vmem>>, vector<16xf32>,
      tpu.vector_store %arg8[%swap3A_60, %swap3A_61], %broadcast_in_dim3A_1 {strides = array<i32>} : memref<128x16xf32, #tpu.memory_space<vmem>>, vector<16xf32>,
      %add3A_63 = arith.constant 3 : i32
      %add3A_64 = arith.addi %add3A_48, %add3A_63 : i32
      %swap3A_65 = arith.index_cast %add3A_64 : i32 to index
      %swap3A_66 = arith.constant 0 : index
      %swap3A_67 = tpu.vector_load %arg8[%swap3A_65, %swap3A_66] {strides = array<i32>} : memref<128x16xf32, #tpu.memory_space<vmem>>, vector<16xf32>,
      tpu.vector_store %arg8[%swap3A_65, %swap3A_66], %broadcast_in_dim3A_1 {strides = array<i32>} : memref<128x16xf32, #tpu.memory_space<vmem>>, vector<16xf32>,
      %add3A_68 = arith.constant 4 : i32
      %add3A_69 = arith.addi %add3A_48, %add3A_68 : i32
      %swap3A_70 = arith.index_cast %add3A_69 : i32 to index
      %swap3A_71 = arith.constant 0 : index
      %swap3A_72 = tpu.vector_load %arg8[%swap3A_70, %swap3A_71] {strides = array<i32>} : memref<128x16xf32, #tpu.memory_space<vmem>>, vector<16xf32>,
      tpu.vector_store %arg8[%swap3A_70, %swap3A_71], %broadcast_in_dim3A_1 {strides = array<i32>} : memref<128x16xf32, #tpu.memory_space<vmem>>, vector<16xf32>,
      %add3A_73 = arith.constant 5 : i32
      %add3A_74 = arith.addi %add3A_48, %add3A_73 : i32
      %swap3A_75 = arith.index_cast %add3A_74 : i32 to index
      %swap3A_76 = arith.constant 0 : index
      %swap3A_77 = tpu.vector_load %arg8[%swap3A_75, %swap3A_76] {strides = array<i32>} : memref<128x16xf32, #tpu.memory_space<vmem>>, vector<16xf32>,
      tpu.vector_store %arg8[%swap3A_75, %swap3A_76], %broadcast_in_dim3A_1 {strides = array<i32>} : memref<128x16xf32, #tpu.memory_space<vmem>>, vector<16xf32>,
      %add3A_78 = arith.constant 6 : i32
      %add3A_79 = arith.addi %add3A_48, %add3A_78 : i32
      %swap3A_80 = arith.index_cast %add3A_79 : i32 to index
      %swap3A_81 = arith.constant 0 : index
      %swap3A_82 = tpu.vector_load %arg8[%swap3A_80, %swap3A_81] {strides = array<i32>} : memref<128x16xf32, #tpu.memory_space<vmem>>, vector<16xf32>,
      tpu.vector_store %arg8[%swap3A_80, %swap3A_81], %broadcast_in_dim3A_1 {strides = array<i32>} : memref<128x16xf32, #tpu.memory_space<vmem>>, vector<16xf32>,
      %add3A_83 = arith.constant 7 : i32
      %add3A_84 = arith.addi %add3A_48, %add3A_83 : i32
      %swap3A_85 = arith.index_cast %add3A_84 : i32 to index
      %swap3A_86 = arith.constant 0 : index
      %swap3A_87 = tpu.vector_load %arg8[%swap3A_85, %swap3A_86] {strides = array<i32>} : memref<128x16xf32, #tpu.memory_space<vmem>>, vector<16xf32>,
      tpu.vector_store %arg8[%swap3A_85, %swap3A_86], %broadcast_in_dim3A_1 {strides = array<i32>} : memref<128x16xf32, #tpu.memory_space<vmem>>, vector<16xf32>,
    }
    %scan3A_18 = arith.constant 16 : i32
    %dma_wait3A = arith.constant 0 : i32
    %dma_wait3A_19 = tpu.memref_slice %arg3[%dma_wait3A, %mul3A_3] : memref<2x160000xi32, #tpu.memory_space<hbm>> -> memref<1x5000xi32, #tpu.memory_space<hbm>>
    %dma_wait3A_20 = tpu.memref_squeeze %dma_wait3A_19 : memref<1x5000xi32, #tpu.memory_space<hbm>> -> memref<5000xi32, #tpu.memory_space<hbm>>
    %dma_wait3A_21 = tpu.memref_slice %arg3[%dma_wait3A, %mul3A_3] : memref<2x160000xi32, #tpu.memory_space<hbm>> -> memref<1x5000xi32, #tpu.memory_space<hbm>>
    %dma_wait3A_22 = tpu.memref_squeeze %dma_wait3A_21 : memref<1x5000xi32, #tpu.memory_space<hbm>> -> memref<5000xi32, #tpu.memory_space<hbm>>
    tpu.wait_dma2 semaphore(%arg10 : memref<!tpu.dma_semaphore, #tpu.memory_space<semaphore_mem>>) src(%dma_wait3A_22 : memref<5000xi32, #tpu.memory_space<hbm>>) dst(%arg5 : memref<5000xi32, #tpu.memory_space<vmem>>)
    %dma_start3A_23 = arith.constant 0 : i32
    %dma_start3A_24 = arith.constant 0 : i32
    %dma_start3A_25 = tpu.memref_slice %arg2[%dma_start3A_23, %dma_start3A_24] : memref<10240x16xf32, #tpu.memory_space<hbm>> -> memref<10240x16xf32, #tpu.memory_space<hbm>>
    tpu.enqueue_indirect_dma source(%dma_start3A_25 : memref<10240x16xf32, #tpu.memory_space<hbm>>) target(%arg7 : memref<5000x16xf32, #tpu.memory_space<vmem>>) offsets(%arg5 : memref<5000xi32, #tpu.memory_space<vmem>>) semaphore(%arg11 : memref<!tpu.dma_semaphore, #tpu.memory_space<semaphore_mem>>)
    %scan3A_26 = arith.constant 0 : i32
    %scan3A_27 = arith.constant 5 : i32
    %scan3A_28 = arith.addi %scan3A_26, %scan3A_27 : i32
    %scan3A_29 = arith.constant 1 : i32
    scf.for %scan3A_44 = %scan3A_26 to %scan3A_28 step %scan3A_29  : i32 {
      %mul3A_45 = arith.constant 1 : i32
      %mul3A_46 = arith.muli %scan3A_44, %mul3A_45 : i32
      %add3A_47 = arith.constant 0 : i32
      %add3A_48 = arith.addi %add3A_47, %mul3A_46 : i32
      %mul3A_49 = arith.constant 640 : i32
      %mul3A_50 = arith.muli %arg1, %mul3A_49 : i32
      %mul3A_51 = arith.constant 128 : i32
      %mul3A_52 = arith.muli %add3A_48, %mul3A_51 : i32
      %add3A_53 = arith.addi %mul3A_50, %mul3A_52 : i32
      "tpu.region"() ({
        %run_scoped3A = tpu.sem_alloc : memref<!tpu.dma_semaphore, #tpu.memory_space<semaphore_mem>>
        %dma_start3A_54 = arith.constant 0 : i32
        %dma_start3A_55 = tpu.memref_slice %arg9[%add3A_53, %dma_start3A_54] : memref<10240x16xf32, #tpu.memory_space<vmem_shared>> -> memref<128x16xf32, #tpu.memory_space<vmem_shared>>
        %dma_start3A_56 = arith.constant 0 : i32
        %dma_start3A_57 = tpu.memref_slice %arg9[%add3A_53, %dma_start3A_56] : memref<10240x16xf32, #tpu.memory_space<vmem_shared>> -> memref<128x16xf32, #tpu.memory_space<vmem_shared>>
        tpu.enqueue_dma source(%arg8 : memref<128x16xf32, #tpu.memory_space<vmem>>) target(%dma_start3A_57 : memref<128x16xf32, #tpu.memory_space<vmem_shared>>) target_semaphore(%run_scoped3A : memref<!tpu.dma_semaphore, #tpu.memory_space<semaphore_mem>>)
        %dma_wait3A_58 = arith.constant 0 : i32
        %dma_wait3A_59 = tpu.memref_slice %arg9[%add3A_53, %dma_wait3A_58] : memref<10240x16xf32, #tpu.memory_space<vmem_shared>> -> memref<128x16xf32, #tpu.memory_space<vmem_shared>>
        %dma_wait3A_60 = arith.constant 0 : i32
        %dma_wait3A_61 = tpu.memref_slice %arg9[%add3A_53, %dma_wait3A_60] : memref<10240x16xf32, #tpu.memory_space<vmem_shared>> -> memref<128x16xf32, #tpu.memory_space<vmem_shared>>
        tpu.wait_dma2 semaphore(%run_scoped3A : memref<!tpu.dma_semaphore, #tpu.memory_space<semaphore_mem>>) src(%arg8 : memref<128x16xf32, #tpu.memory_space<vmem>>) dst(%dma_wait3A_61 : memref<128x16xf32, #tpu.memory_space<vmem_shared>>)
        tpu.yield
      }) : () -> ()
    }
    %scan3A_30 = arith.constant 5 : i32
    %dma_wait3A_31 = arith.constant 1 : i32
    %dma_wait3A_32 = tpu.memref_slice %arg3[%dma_wait3A_31, %mul3A_9] : memref<2x160000xi32, #tpu.memory_space<hbm>> -> memref<1x5000xi32, #tpu.memory_space<hbm>>
    %dma_wait3A_33 = tpu.memref_squeeze %dma_wait3A_32 : memref<1x5000xi32, #tpu.memory_space<hbm>> -> memref<5000xi32, #tpu.memory_space<hbm>>
    %dma_wait3A_34 = tpu.memref_slice %arg3[%dma_wait3A_31, %mul3A_9] : memref<2x160000xi32, #tpu.memory_space<hbm>> -> memref<1x5000xi32, #tpu.memory_space<hbm>>
    %dma_wait3A_35 = tpu.memref_squeeze %dma_wait3A_34 : memref<1x5000xi32, #tpu.memory_space<hbm>> -> memref<5000xi32, #tpu.memory_space<hbm>>
    tpu.wait_dma2 semaphore(%arg10 : memref<!tpu.dma_semaphore, #tpu.memory_space<semaphore_mem>>) src(%dma_wait3A_35 : memref<5000xi32, #tpu.memory_space<hbm>>) dst(%arg6 : memref<5000xi32, #tpu.memory_space<vmem>>)
    %barrier3A = arith.constant 0 : index
    tpu.barrier barrier_id(%barrier3A)
    %dma_wait3A_36 = arith.constant 0 : i32
    %dma_wait3A_37 = arith.constant 0 : i32
    %dma_wait3A_38 = tpu.memref_slice %arg2[%dma_wait3A_36, %dma_wait3A_37] : memref<10240x16xf32, #tpu.memory_space<hbm>> -> memref<10240x16xf32, #tpu.memory_space<hbm>>
    tpu.wait_indirect_dma semaphore(%arg11 : memref<!tpu.dma_semaphore, #tpu.memory_space<semaphore_mem>>) src(%dma_wait3A_38 : memref<10240x16xf32, #tpu.memory_space<hbm>>) dst(%arg7 : memref<5000x16xf32, #tpu.memory_space<vmem>>)
    "tpu.region"() ({
      %run_scoped3A = tpu.sem_alloc : memref<!tpu.dma_semaphore, #tpu.memory_space<semaphore_mem>>
      %dma_start3A_44 = arith.constant 0 : i32
      %dma_start3A_45 = arith.constant 0 : i32
      %dma_start3A_46 = tpu.memref_slice %arg9[%dma_start3A_44, %dma_start3A_45] : memref<10240x16xf32, #tpu.memory_space<vmem_shared>> -> memref<10240x16xf32, #tpu.memory_space<vmem_shared>>
      tpu.enqueue_indirect_dma source(%arg7 : memref<5000x16xf32, #tpu.memory_space<vmem>>) target(%dma_start3A_46 : memref<10240x16xf32, #tpu.memory_space<vmem_shared>>) offsets(%arg6 : memref<5000xi32, #tpu.memory_space<vmem>>) semaphore(%run_scoped3A : memref<!tpu.dma_semaphore, #tpu.memory_space<semaphore_mem>>) {add = true}
      %dma_wait3A_47 = arith.constant 0 : i32
      %dma_wait3A_48 = arith.constant 0 : i32
      %dma_wait3A_49 = tpu.memref_slice %arg9[%dma_wait3A_47, %dma_wait3A_48] : memref<10240x16xf32, #tpu.memory_space<vmem_shared>> -> memref<10240x16xf32, #tpu.memory_space<vmem_shared>>
      tpu.wait_indirect_dma semaphore(%run_scoped3A : memref<!tpu.dma_semaphore, #tpu.memory_space<semaphore_mem>>) src(%arg7 : memref<5000x16xf32, #tpu.memory_space<vmem>>) dst(%dma_wait3A_49 : memref<10240x16xf32, #tpu.memory_space<vmem_shared>>)
      tpu.yield
    }) : () -> ()
    %barrier3A_39 = arith.constant 0 : index
    tpu.barrier barrier_id(%barrier3A_39)
    %mul3A_40 = arith.constant 640 : i32
    %mul3A_41 = arith.muli %arg1, %mul3A_40 : i32
    %mul3A_42 = arith.constant 640 : i32
    %mul3A_43 = arith.muli %arg1, %mul3A_42 : i32
    "tpu.region"() ({
      %run_scoped3A = tpu.sem_alloc : memref<!tpu.dma_semaphore, #tpu.memory_space<semaphore_mem>>
      %dma_start3A_44 = arith.constant 0 : i32
      %dma_start3A_45 = tpu.memref_slice %arg4[%arg0, %mul3A_43, %dma_start3A_44] : memref<2x10240x16xf32, #tpu.memory_space<hbm>> -> memref<1x640x16xf32, #tpu.memory_space<hbm>>
      %dma_start3A_46 = tpu.memref_squeeze %dma_start3A_45 : memref<1x640x16xf32, #tpu.memory_space<hbm>> -> memref<640x16xf32, #tpu.memory_space<hbm>>
      %dma_start3A_47 = arith.constant 0 : i32
      %dma_start3A_48 = tpu.memref_slice %arg9[%mul3A_41, %dma_start3A_47] : memref<10240x16xf32, #tpu.memory_space<vmem_shared>> -> memref<640x16xf32, #tpu.memory_space<vmem_shared>>
      tpu.enqueue_dma source(%dma_start3A_48 : memref<640x16xf32, #tpu.memory_space<vmem_shared>>) target(%dma_start3A_46 : memref<640x16xf32, #tpu.memory_space<hbm>>) target_semaphore(%run_scoped3A : memref<!tpu.dma_semaphore, #tpu.memory_space<semaphore_mem>>)
      %dma_wait3A_49 = arith.constant 0 : i32
      %dma_wait3A_50 = tpu.memref_slice %arg4[%arg0, %mul3A_43, %dma_wait3A_49] : memref<2x10240x16xf32, #tpu.memory_space<hbm>> -> memref<1x640x16xf32, #tpu.memory_space<hbm>>
      %dma_wait3A_51 = tpu.memref_squeeze %dma_wait3A_50 : memref<1x640x16xf32, #tpu.memory_space<hbm>> -> memref<640x16xf32, #tpu.memory_space<hbm>>
      %dma_wait3A_52 = arith.constant 0 : i32
      %dma_wait3A_53 = tpu.memref_slice %arg9[%mul3A_41, %dma_wait3A_52] : memref<10240x16xf32, #tpu.memory_space<vmem_shared>> -> memref<640x16xf32, #tpu.memory_space<vmem_shared>>
      tpu.wait_dma2 semaphore(%run_scoped3A : memref<!tpu.dma_semaphore, #tpu.memory_space<semaphore_mem>>) src(%dma_wait3A_53 : memref<640x16xf32, #tpu.memory_space<vmem_shared>>) dst(%dma_wait3A_51 : memref<640x16xf32, #tpu.memory_space<hbm>>)
      tpu.yield
    }) : () -> ()
    return
  }
}

#map = affine_map<(d0, d1) -> (0, 0)>
#map1 = affine_map<(d0, d1) -> (0, 0, 0)>
module attributes {stable_mosaic.version = 14 : i64} {
  func.func @_agg_body(%arg0: i32, %arg1: i32, %arg2: memref<10240x16xf32, #tpu.memory_space<hbm>>, %arg3: memref<2x160000xi32, #tpu.memory_space<hbm>>, %arg4: memref<2x10240x16xf32, #tpu.memory_space<hbm>>, %arg5: memref<5000xi32, #tpu.memory_space<vmem>>, %arg6: memref<5000xi32, #tpu.memory_space<vmem>>, %arg7: memref<5000x16xf32, #tpu.memory_space<vmem>>, %arg8: memref<128x16xf32, #tpu.memory_space<vmem>>, %arg9: memref<10240x16xf32, #tpu.memory_space<vmem_shared>>, %arg10: memref<!tpu.dma_semaphore, #tpu.memory_space<semaphore_mem>>, %arg11: memref<!tpu.dma_semaphore, #tpu.memory_space<semaphore_mem>>) attributes {dimension_semantics = [#tpu.dimension_semantics<core_parallel>, #tpu.dimension_semantics<subcore_parallel>], iteration_bounds = array<i64: 2, 16>, scalar_prefetch = 0 : i64, scratch_operands = 7 : i64, tpu.core_type = #tpu.core_type<sc_vector_subcore>, window_params = [{transform_indices = #map}, {transform_indices = #map}, {transform_indices = #map1}]} {
    %mul3A = arith.constant 16 : i32
    %mul3A_0 = arith.muli %arg0, %mul3A : i32
    %add3A = arith.addi %mul3A_0, %arg1 : i32
    %broadcast_in_dim3A = arith.constant 0.000000e+00 : f32
    %broadcast_in_dim3A_1 = vector.broadcast %broadcast_in_dim3A : f32 to vector<16xf32>
    %mul3A_2 = arith.constant 5000 : i32
    %mul3A_3 = arith.muli %add3A, %mul3A_2 : i32
    %dma_start3A = arith.constant 0 : i32
    %dma_start3A_4 = tpu.memref_slice %arg3[%dma_start3A, %mul3A_3] : memref<2x160000xi32, #tpu.memory_space<hbm>> -> memref<1x5000xi32, #tpu.memory_space<hbm>>
    %dma_start3A_5 = tpu.memref_squeeze %dma_start3A_4 : memref<1x5000xi32, #tpu.memory_space<hbm>> -> memref<5000xi32, #tpu.memory_space<hbm>>
    %dma_start3A_6 = tpu.memref_slice %arg3[%dma_start3A, %mul3A_3] : memref<2x160000xi32, #tpu.memory_space<hbm>> -> memref<1x5000xi32, #tpu.memory_space<hbm>>
    %dma_start3A_7 = tpu.memref_squeeze %dma_start3A_6 : memref<1x5000xi32, #tpu.memory_space<hbm>> -> memref<5000xi32, #tpu.memory_space<hbm>>
    tpu.enqueue_dma source(%dma_start3A_7 : memref<5000xi32, #tpu.memory_space<hbm>>) target(%arg5 : memref<5000xi32, #tpu.memory_space<vmem>>) target_semaphore(%arg10 : memref<!tpu.dma_semaphore, #tpu.memory_space<semaphore_mem>>)
    %mul3A_8 = arith.constant 5000 : i32
    %mul3A_9 = arith.muli %add3A, %mul3A_8 : i32
    %dma_start3A_10 = arith.constant 1 : i32
    %dma_start3A_11 = tpu.memref_slice %arg3[%dma_start3A_10, %mul3A_9] : memref<2x160000xi32, #tpu.memory_space<hbm>> -> memref<1x5000xi32, #tpu.memory_space<hbm>>
    %dma_start3A_12 = tpu.memref_squeeze %dma_start3A_11 : memref<1x5000xi32, #tpu.memory_space<hbm>> -> memref<5000xi32, #tpu.memory_space<hbm>>
    %dma_start3A_13 = tpu.memref_slice %arg3[%dma_start3A_10, %mul3A_9] : memref<2x160000xi32, #tpu.memory_space<hbm>> -> memref<1x5000xi32, #tpu.memory_space<hbm>>
    %dma_start3A_14 = tpu.memref_squeeze %dma_start3A_13 : memref<1x5000xi32, #tpu.memory_space<hbm>> -> memref<5000xi32, #tpu.memory_space<hbm>>
    tpu.enqueue_dma source(%dma_start3A_14 : memref<5000xi32, #tpu.memory_space<hbm>>) target(%arg6 : memref<5000xi32, #tpu.memory_space<vmem>>) target_semaphore(%arg10 : memref<!tpu.dma_semaphore, #tpu.memory_space<semaphore_mem>>)
    %scan3A = arith.constant 0 : i32
    %scan3A_15 = arith.constant 16 : i32
    %scan3A_16 = arith.addi %scan3A, %scan3A_15 : i32
    %scan3A_17 = arith.constant 1 : i32
    scf.for %scan3A_44 = %scan3A to %scan3A_16 step %scan3A_17  : i32 {
      %mul3A_45 = arith.constant 8 : i32
      %mul3A_46 = arith.muli %scan3A_44, %mul3A_45 : i32
      %add3A_47 = arith.constant 0 : i32
      %add3A_48 = arith.addi %add3A_47, %mul3A_46 : i32
      %add3A_49 = arith.constant 0 : i32
      %add3A_50 = arith.addi %add3A_48, %add3A_49 : i32
      %swap3A = arith.index_cast %add3A_50 : i32 to index
      %swap3A_51 = arith.constant 0 : index
      %swap3A_52 = tpu.vector_load %arg8[%swap3A, %swap3A_51] {strides = array<i32>} : memref<128x16xf32, #tpu.memory_space<vmem>>, vector<16xf32>,
      tpu.vector_store %arg8[%swap3A, %swap3A_51], %broadcast_in_dim3A_1 {strides = array<i32>} : memref<128x16xf32, #tpu.memory_space<vmem>>, vector<16xf32>,
      %add3A_53 = arith.constant 1 : i32
      %add3A_54 = arith.addi %add3A_48, %add3A_53 : i32
      %swap3A_55 = arith.index_cast %add3A_54 : i32 to index
      %swap3A_56 = arith.constant 0 : index
      %swap3A_57 = tpu.vector_load %arg8[%swap3A_55, %swap3A_56] {strides = array<i32>} : memref<128x16xf32, #tpu.memory_space<vmem>>, vector<16xf32>,
      tpu.vector_store %arg8[%swap3A_55, %swap3A_56], %broadcast_in_dim3A_1 {strides = array<i32>} : memref<128x16xf32, #tpu.memory_space<vmem>>, vector<16xf32>,
      %add3A_58 = arith.constant 2 : i32
      %add3A_59 = arith.addi %add3A_48, %add3A_58 : i32
      %swap3A_60 = arith.index_cast %add3A_59 : i32 to index
      %swap3A_61 = arith.constant 0 : index
      %swap3A_62 = tpu.vector_load %arg8[%swap3A_60, %swap3A_61] {strides = array<i32>} : memref<128x16xf32, #tpu.memory_space<vmem>>, vector<16xf32>,
      tpu.vector_store %arg8[%swap3A_60, %swap3A_61], %broadcast_in_dim3A_1 {strides = array<i32>} : memref<128x16xf32, #tpu.memory_space<vmem>>, vector<16xf32>,
      %add3A_63 = arith.constant 3 : i32
      %add3A_64 = arith.addi %add3A_48, %add3A_63 : i32
      %swap3A_65 = arith.index_cast %add3A_64 : i32 to index
      %swap3A_66 = arith.constant 0 : index
      %swap3A_67 = tpu.vector_load %arg8[%swap3A_65, %swap3A_66] {strides = array<i32>} : memref<128x16xf32, #tpu.memory_space<vmem>>, vector<16xf32>,
      tpu.vector_store %arg8[%swap3A_65, %swap3A_66], %broadcast_in_dim3A_1 {strides = array<i32>} : memref<128x16xf32, #tpu.memory_space<vmem>>, vector<16xf32>,
      %add3A_68 = arith.constant 4 : i32
      %add3A_69 = arith.addi %add3A_48, %add3A_68 : i32
      %swap3A_70 = arith.index_cast %add3A_69 : i32 to index
      %swap3A_71 = arith.constant 0 : index
      %swap3A_72 = tpu.vector_load %arg8[%swap3A_70, %swap3A_71] {strides = array<i32>} : memref<128x16xf32, #tpu.memory_space<vmem>>, vector<16xf32>,
      tpu.vector_store %arg8[%swap3A_70, %swap3A_71], %broadcast_in_dim3A_1 {strides = array<i32>} : memref<128x16xf32, #tpu.memory_space<vmem>>, vector<16xf32>,
      %add3A_73 = arith.constant 5 : i32
      %add3A_74 = arith.addi %add3A_48, %add3A_73 : i32
      %swap3A_75 = arith.index_cast %add3A_74 : i32 to index
      %swap3A_76 = arith.constant 0 : index
      %swap3A_77 = tpu.vector_load %arg8[%swap3A_75, %swap3A_76] {strides = array<i32>} : memref<128x16xf32, #tpu.memory_space<vmem>>, vector<16xf32>,
      tpu.vector_store %arg8[%swap3A_75, %swap3A_76], %broadcast_in_dim3A_1 {strides = array<i32>} : memref<128x16xf32, #tpu.memory_space<vmem>>, vector<16xf32>,
      %add3A_78 = arith.constant 6 : i32
      %add3A_79 = arith.addi %add3A_48, %add3A_78 : i32
      %swap3A_80 = arith.index_cast %add3A_79 : i32 to index
      %swap3A_81 = arith.constant 0 : index
      %swap3A_82 = tpu.vector_load %arg8[%swap3A_80, %swap3A_81] {strides = array<i32>} : memref<128x16xf32, #tpu.memory_space<vmem>>, vector<16xf32>,
      tpu.vector_store %arg8[%swap3A_80, %swap3A_81], %broadcast_in_dim3A_1 {strides = array<i32>} : memref<128x16xf32, #tpu.memory_space<vmem>>, vector<16xf32>,
      %add3A_83 = arith.constant 7 : i32
      %add3A_84 = arith.addi %add3A_48, %add3A_83 : i32
      %swap3A_85 = arith.index_cast %add3A_84 : i32 to index
      %swap3A_86 = arith.constant 0 : index
      %swap3A_87 = tpu.vector_load %arg8[%swap3A_85, %swap3A_86] {strides = array<i32>} : memref<128x16xf32, #tpu.memory_space<vmem>>, vector<16xf32>,
      tpu.vector_store %arg8[%swap3A_85, %swap3A_86], %broadcast_in_dim3A_1 {strides = array<i32>} : memref<128x16xf32, #tpu.memory_space<vmem>>, vector<16xf32>,
    }
    %scan3A_18 = arith.constant 16 : i32
    %dma_wait3A = arith.constant 0 : i32
    %dma_wait3A_19 = tpu.memref_slice %arg3[%dma_wait3A, %mul3A_3] : memref<2x160000xi32, #tpu.memory_space<hbm>> -> memref<1x5000xi32, #tpu.memory_space<hbm>>
    %dma_wait3A_20 = tpu.memref_squeeze %dma_wait3A_19 : memref<1x5000xi32, #tpu.memory_space<hbm>> -> memref<5000xi32, #tpu.memory_space<hbm>>
    %dma_wait3A_21 = tpu.memref_slice %arg3[%dma_wait3A, %mul3A_3] : memref<2x160000xi32, #tpu.memory_space<hbm>> -> memref<1x5000xi32, #tpu.memory_space<hbm>>
    %dma_wait3A_22 = tpu.memref_squeeze %dma_wait3A_21 : memref<1x5000xi32, #tpu.memory_space<hbm>> -> memref<5000xi32, #tpu.memory_space<hbm>>
    tpu.wait_dma2 semaphore(%arg10 : memref<!tpu.dma_semaphore, #tpu.memory_space<semaphore_mem>>) src(%dma_wait3A_22 : memref<5000xi32, #tpu.memory_space<hbm>>) dst(%arg5 : memref<5000xi32, #tpu.memory_space<vmem>>)
    %dma_start3A_23 = arith.constant 0 : i32
    %dma_start3A_24 = arith.constant 0 : i32
    %dma_start3A_25 = tpu.memref_slice %arg2[%dma_start3A_23, %dma_start3A_24] : memref<10240x16xf32, #tpu.memory_space<hbm>> -> memref<10240x16xf32, #tpu.memory_space<hbm>>
    tpu.enqueue_indirect_dma source(%dma_start3A_25 : memref<10240x16xf32, #tpu.memory_space<hbm>>) target(%arg7 : memref<5000x16xf32, #tpu.memory_space<vmem>>) offsets(%arg5 : memref<5000xi32, #tpu.memory_space<vmem>>) semaphore(%arg11 : memref<!tpu.dma_semaphore, #tpu.memory_space<semaphore_mem>>)
    %scan3A_26 = arith.constant 0 : i32
    %scan3A_27 = arith.constant 5 : i32
    %scan3A_28 = arith.addi %scan3A_26, %scan3A_27 : i32
    %scan3A_29 = arith.constant 1 : i32
    scf.for %scan3A_44 = %scan3A_26 to %scan3A_28 step %scan3A_29  : i32 {
      %mul3A_45 = arith.constant 1 : i32
      %mul3A_46 = arith.muli %scan3A_44, %mul3A_45 : i32
      %add3A_47 = arith.constant 0 : i32
      %add3A_48 = arith.addi %add3A_47, %mul3A_46 : i32
      %mul3A_49 = arith.constant 640 : i32
      %mul3A_50 = arith.muli %arg1, %mul3A_49 : i32
      %mul3A_51 = arith.constant 128 : i32
      %mul3A_52 = arith.muli %add3A_48, %mul3A_51 : i32
      %add3A_53 = arith.addi %mul3A_50, %mul3A_52 : i32
      "tpu.region"() ({
        %run_scoped3A = tpu.sem_alloc : memref<!tpu.dma_semaphore, #tpu.memory_space<semaphore_mem>>
        %dma_start3A_54 = arith.constant 0 : i32
        %dma_start3A_55 = tpu.memref_slice %arg9[%add3A_53, %dma_start3A_54] : memref<10240x16xf32, #tpu.memory_space<vmem_shared>> -> memref<128x16xf32, #tpu.memory_space<vmem_shared>>
        %dma_start3A_56 = arith.constant 0 : i32
        %dma_start3A_57 = tpu.memref_slice %arg9[%add3A_53, %dma_start3A_56] : memref<10240x16xf32, #tpu.memory_space<vmem_shared>> -> memref<128x16xf32, #tpu.memory_space<vmem_shared>>
        tpu.enqueue_dma source(%arg8 : memref<128x16xf32, #tpu.memory_space<vmem>>) target(%dma_start3A_57 : memref<128x16xf32, #tpu.memory_space<vmem_shared>>) target_semaphore(%run_scoped3A : memref<!tpu.dma_semaphore, #tpu.memory_space<semaphore_mem>>)
        %dma_wait3A_58 = arith.constant 0 : i32
        %dma_wait3A_59 = tpu.memref_slice %arg9[%add3A_53, %dma_wait3A_58] : memref<10240x16xf32, #tpu.memory_space<vmem_shared>> -> memref<128x16xf32, #tpu.memory_space<vmem_shared>>
        %dma_wait3A_60 = arith.constant 0 : i32
        %dma_wait3A_61 = tpu.memref_slice %arg9[%add3A_53, %dma_wait3A_60] : memref<10240x16xf32, #tpu.memory_space<vmem_shared>> -> memref<128x16xf32, #tpu.memory_space<vmem_shared>>
        tpu.wait_dma2 semaphore(%run_scoped3A : memref<!tpu.dma_semaphore, #tpu.memory_space<semaphore_mem>>) src(%arg8 : memref<128x16xf32, #tpu.memory_space<vmem>>) dst(%dma_wait3A_61 : memref<128x16xf32, #tpu.memory_space<vmem_shared>>)
        tpu.yield
      }) : () -> ()
    }
    %scan3A_30 = arith.constant 5 : i32
    %dma_wait3A_31 = arith.constant 1 : i32
    %dma_wait3A_32 = tpu.memref_slice %arg3[%dma_wait3A_31, %mul3A_9] : memref<2x160000xi32, #tpu.memory_space<hbm>> -> memref<1x5000xi32, #tpu.memory_space<hbm>>
    %dma_wait3A_33 = tpu.memref_squeeze %dma_wait3A_32 : memref<1x5000xi32, #tpu.memory_space<hbm>> -> memref<5000xi32, #tpu.memory_space<hbm>>
    %dma_wait3A_34 = tpu.memref_slice %arg3[%dma_wait3A_31, %mul3A_9] : memref<2x160000xi32, #tpu.memory_space<hbm>> -> memref<1x5000xi32, #tpu.memory_space<hbm>>
    %dma_wait3A_35 = tpu.memref_squeeze %dma_wait3A_34 : memref<1x5000xi32, #tpu.memory_space<hbm>> -> memref<5000xi32, #tpu.memory_space<hbm>>
    tpu.wait_dma2 semaphore(%arg10 : memref<!tpu.dma_semaphore, #tpu.memory_space<semaphore_mem>>) src(%dma_wait3A_35 : memref<5000xi32, #tpu.memory_space<hbm>>) dst(%arg6 : memref<5000xi32, #tpu.memory_space<vmem>>)
    %barrier3A = arith.constant 0 : index
    tpu.barrier barrier_id(%barrier3A)
    %dma_wait3A_36 = arith.constant 0 : i32
    %dma_wait3A_37 = arith.constant 0 : i32
    %dma_wait3A_38 = tpu.memref_slice %arg2[%dma_wait3A_36, %dma_wait3A_37] : memref<10240x16xf32, #tpu.memory_space<hbm>> -> memref<10240x16xf32, #tpu.memory_space<hbm>>
    tpu.wait_indirect_dma semaphore(%arg11 : memref<!tpu.dma_semaphore, #tpu.memory_space<semaphore_mem>>) src(%dma_wait3A_38 : memref<10240x16xf32, #tpu.memory_space<hbm>>) dst(%arg7 : memref<5000x16xf32, #tpu.memory_space<vmem>>)
    "tpu.region"() ({
      %run_scoped3A = tpu.sem_alloc : memref<!tpu.dma_semaphore, #tpu.memory_space<semaphore_mem>>
      %dma_start3A_44 = arith.constant 0 : i32
      %dma_start3A_45 = arith.constant 0 : i32
      %dma_start3A_46 = tpu.memref_slice %arg9[%dma_start3A_44, %dma_start3A_45] : memref<10240x16xf32, #tpu.memory_space<vmem_shared>> -> memref<10240x16xf32, #tpu.memory_space<vmem_shared>>
      tpu.enqueue_indirect_dma source(%arg7 : memref<5000x16xf32, #tpu.memory_space<vmem>>) target(%dma_start3A_46 : memref<10240x16xf32, #tpu.memory_space<vmem_shared>>) offsets(%arg6 : memref<5000xi32, #tpu.memory_space<vmem>>) semaphore(%run_scoped3A : memref<!tpu.dma_semaphore, #tpu.memory_space<semaphore_mem>>) {add = true}
      %dma_wait3A_47 = arith.constant 0 : i32
      %dma_wait3A_48 = arith.constant 0 : i32
      %dma_wait3A_49 = tpu.memref_slice %arg9[%dma_wait3A_47, %dma_wait3A_48] : memref<10240x16xf32, #tpu.memory_space<vmem_shared>> -> memref<10240x16xf32, #tpu.memory_space<vmem_shared>>
      tpu.wait_indirect_dma semaphore(%run_scoped3A : memref<!tpu.dma_semaphore, #tpu.memory_space<semaphore_mem>>) src(%arg7 : memref<5000x16xf32, #tpu.memory_space<vmem>>) dst(%dma_wait3A_49 : memref<10240x16xf32, #tpu.memory_space<vmem_shared>>)
      tpu.yield
    }) : () -> ()
    %barrier3A_39 = arith.constant 0 : index
    tpu.barrier barrier_id(%barrier3A_39)
    %mul3A_40 = arith.constant 640 : i32
    %mul3A_41 = arith.muli %arg1, %mul3A_40 : i32
    %mul3A_42 = arith.constant 640 : i32
    %mul3A_43 = arith.muli %arg1, %mul3A_42 : i32
    "tpu.region"() ({
      %run_scoped3A = tpu.sem_alloc : memref<!tpu.dma_semaphore, #tpu.memory_space<semaphore_mem>>
      %dma_start3A_44 = arith.constant 0 : i32
      %dma_start3A_45 = tpu.memref_slice %arg4[%arg0, %mul3A_43, %dma_start3A_44] : memref<2x10240x16xf32, #tpu.memory_space<hbm>> -> memref<1x640x16xf32, #tpu.memory_space<hbm>>
      %dma_start3A_46 = tpu.memref_squeeze %dma_start3A_45 : memref<1x640x16xf32, #tpu.memory_space<hbm>> -> memref<640x16xf32, #tpu.memory_space<hbm>>
      %dma_start3A_47 = arith.constant 0 : i32
      %dma_start3A_48 = tpu.memref_slice %arg9[%mul3A_41, %dma_start3A_47] : memref<10240x16xf32, #tpu.memory_space<vmem_shared>> -> memref<640x16xf32, #tpu.memory_space<vmem_shared>>
      tpu.enqueue_dma source(%dma_start3A_48 : memref<640x16xf32, #tpu.memory_space<vmem_shared>>) target(%dma_start3A_46 : memref<640x16xf32, #tpu.memory_space<hbm>>) target_semaphore(%run_scoped3A : memref<!tpu.dma_semaphore, #tpu.memory_space<semaphore_mem>>)
      %dma_wait3A_49 = arith.constant 0 : i32
      %dma_wait3A_50 = tpu.memref_slice %arg4[%arg0, %mul3A_43, %dma_wait3A_49] : memref<2x10240x16xf32, #tpu.memory_space<hbm>> -> memref<1x640x16xf32, #tpu.memory_space<hbm>>
      %dma_wait3A_51 = tpu.memref_squeeze %dma_wait3A_50 : memref<1x640x16xf32, #tpu.memory_space<hbm>> -> memref<640x16xf32, #tpu.memory_space<hbm>>
      %dma_wait3A_52 = arith.constant 0 : i32
      %dma_wait3A_53 = tpu.memref_slice %arg9[%mul3A_41, %dma_wait3A_52] : memref<10240x16xf32, #tpu.memory_space<vmem_shared>> -> memref<640x16xf32, #tpu.memory_space<vmem_shared>>
      tpu.wait_dma2 semaphore(%run_scoped3A : memref<!tpu.dma_semaphore, #tpu.memory_space<semaphore_mem>>) src(%dma_wait3A_53 : memref<640x16xf32, #tpu.memory_space<vmem_shared>>) dst(%dma_wait3A_51 : memref<640x16xf32, #tpu.memory_space<hbm>>)
      tpu.yield
    }) : () -> ()
    return
  }
}

module attributes {stable_mosaic.version = 14 : i64} {
  func.func @_mm1_body(%arg0: i32, %arg1: memref<1024x256xf32, #tpu.memory_space<vmem>>, %arg2: memref<256x128xf32, #tpu.memory_space<vmem>>, %arg3: memref<64x1024xf32, #tpu.memory_space<vmem>>, %arg4: memref<128x128xf32, #tpu.memory_space<vmem>>, %arg5: memref<128x128xf32, #tpu.memory_space<vmem>>, %arg6: memref<128x128xf32, #tpu.memory_space<vmem>>) attributes {dimension_semantics = [#tpu.dimension_semantics<arbitrary>], iteration_bounds = array<i64: 10>, scalar_prefetch = 0 : i64, scratch_operands = 0 : i64, tpu.core_type = #tpu.core_type<tc>, window_params = [{transform_indices = @transform_0, window_bounds = array<i64: 1024, 256>}, {pipeline_mode = #tpu.pipeline_mode<synchronous>, transform_indices = @transform_1, window_bounds = array<i64: 256, 128>}, {transform_indices = @transform_2, window_bounds = array<i64: 64, 1024>}, {transform_indices = @transform_3, window_bounds = array<i64: 128, 128>}, {transform_indices = @transform_4, window_bounds = array<i64: 128, 128>}, {transform_indices = @transform_5, window_bounds = array<i64: 128, 128>}]} {
    %get3A = arith.constant 0 : index
    %get3A_0 = arith.constant 0 : index
    %get3A_1 = vector.load %arg3[%get3A, %get3A_0] : memref<64x1024xf32, #tpu.memory_space<vmem>>, vector<64x1024xf32>
    %slice3A = vector.extract_strided_slice %get3A_1 {offsets = [0, 0], sizes = [32, 1024], strides = [1, 1]} : vector<64x1024xf32> to vector<32x1024xf32>
    %reduce_sum3A = arith.constant dense<0.000000e+00> : vector<1024xf32>
    %reduce_sum3A_2 = vector.multi_reduction <add>, %slice3A, %reduce_sum3A [0] : vector<32x1024xf32> to vector<1024xf32>
    %max3A = arith.constant 1.000000e+00 : f32
    %max3A_3 = vector.broadcast %max3A : f32 to vector<1024xf32>
    %max3A_4 = arith.maximumf %reduce_sum3A_2, %max3A_3 : vector<1024xf32>
    %slice3A_5 = vector.extract_strided_slice %get3A_1 {offsets = [32, 0], sizes = [32, 1024], strides = [1, 1]} : vector<64x1024xf32> to vector<32x1024xf32>
    %reduce_sum3A_6 = arith.constant dense<0.000000e+00> : vector<1024xf32>
    %reduce_sum3A_7 = vector.multi_reduction <add>, %slice3A_5, %reduce_sum3A_6 [0] : vector<32x1024xf32> to vector<1024xf32>
    %max3A_8 = arith.constant 1.000000e+00 : f32
    %max3A_9 = vector.broadcast %max3A_8 : f32 to vector<1024xf32>
    %max3A_10 = arith.maximumf %reduce_sum3A_7, %max3A_9 : vector<1024xf32>
    %iota3A = tpu.iota {dimensions = array<i32: 0>} : vector<1024x128xi32>
    %iota3A_11 = tpu.iota {dimensions = array<i32: 1>} : vector<1024x128xi32>
    %jit3A = arith.constant 8 : i32
    %eq3A = arith.constant 0 : i32
    %eq3A_12 = arith.cmpi eq, %jit3A, %eq3A : i32
    %jit3A_13 = arith.constant 1 : i32
    %select_n3A = arith.select %eq3A_12, %jit3A_13, %jit3A : i32
    %rem3A = vector.broadcast %select_n3A : i32 to vector<1024x128xi32>
    %rem3A_14 = arith.remsi %iota3A, %rem3A : vector<1024x128xi32>
    %ne3A = arith.constant 0 : i32
    %ne3A_15 = vector.broadcast %ne3A : i32 to vector<1024x128xi32>
    %ne3A_16 = arith.cmpi ne, %rem3A_14, %ne3A_15 : vector<1024x128xi32>
    %lt3A = arith.constant 0 : i32
    %lt3A_17 = vector.broadcast %lt3A : i32 to vector<1024x128xi32>
    %lt3A_18 = arith.cmpi slt, %rem3A_14, %lt3A_17 : vector<1024x128xi32>
    %lt3A_19 = arith.constant 0 : i32
    %lt3A_20 = arith.cmpi slt, %select_n3A, %lt3A_19 : i32
    %ne3A_21 = vector.broadcast %lt3A_20 : i1 to vector<1024x128xi1>
    %ne3A_22 = vector.broadcast %ne3A_21 : vector<1024x128xi1> to vector<1024x128xi1>
    %ne3A_23 = arith.xori %lt3A_18, %ne3A_22 : vector<1024x128xi1>
    %and3A = arith.andi %ne3A_23, %ne3A_16 : vector<1024x128xi1>
    %add3A = vector.broadcast %select_n3A : i32 to vector<1024x128xi32>
    %add3A_24 = arith.addi %rem3A_14, %add3A : vector<1024x128xi32>
    %select_n3A_25 = arith.select %and3A, %add3A_24, %rem3A_14 : vector<1024x128xi1>, vector<1024x128xi32>
    %jit3A_26 = arith.constant 16 : i32
    %div3A = vector.broadcast %jit3A_26 : i32 to vector<1024x128xi32>
    %div3A_27 = arith.divsi %iota3A_11, %div3A : vector<1024x128xi32>
    %sign3A = arith.constant 0 : i32
    %sign3A_28 = vector.broadcast %sign3A : i32 to vector<1024x128xi32>
    %sign3A_29 = arith.cmpi sgt, %iota3A_11, %sign3A_28 : vector<1024x128xi32>
    %sign3A_30 = arith.extui %sign3A_29 : vector<1024x128xi1> to vector<1024x128xi32>
    %sign3A_31 = arith.constant 0 : i32
    %sign3A_32 = vector.broadcast %sign3A_31 : i32 to vector<1024x128xi32>
    %sign3A_33 = arith.cmpi slt, %iota3A_11, %sign3A_32 : vector<1024x128xi32>
    %sign3A_34 = arith.extui %sign3A_33 : vector<1024x128xi1> to vector<1024x128xi32>
    %sign3A_35 = arith.subi %sign3A_30, %sign3A_34 : vector<1024x128xi32>
    %sign3A_36 = arith.constant 0 : i32
    %sign3A_37 = arith.cmpi sgt, %jit3A_26, %sign3A_36 : i32
    %sign3A_38 = arith.extui %sign3A_37 : i1 to i32
    %sign3A_39 = arith.constant 0 : i32
    %sign3A_40 = arith.cmpi slt, %jit3A_26, %sign3A_39 : i32
    %sign3A_41 = arith.extui %sign3A_40 : i1 to i32
    %sign3A_42 = arith.subi %sign3A_38, %sign3A_41 : i32
    %ne3A_43 = vector.broadcast %sign3A_42 : i32 to vector<1024x128xi32>
    %ne3A_44 = arith.cmpi ne, %sign3A_35, %ne3A_43 : vector<1024x128xi32>
    %rem3A_45 = vector.broadcast %jit3A_26 : i32 to vector<1024x128xi32>
    %rem3A_46 = arith.remsi %iota3A_11, %rem3A_45 : vector<1024x128xi32>
    %ne3A_47 = arith.constant 0 : i32
    %ne3A_48 = vector.broadcast %ne3A_47 : i32 to vector<1024x128xi32>
    %ne3A_49 = arith.cmpi ne, %rem3A_46, %ne3A_48 : vector<1024x128xi32>
    %and3A_50 = arith.andi %ne3A_44, %ne3A_49 : vector<1024x128xi1>
    %sub3A = arith.constant 1 : i32
    %sub3A_51 = vector.broadcast %sub3A : i32 to vector<1024x128xi32>
    %sub3A_52 = arith.subi %div3A_27, %sub3A_51 : vector<1024x128xi32>
    %select_n3A_53 = arith.select %and3A_50, %sub3A_52, %div3A_27 : vector<1024x128xi1>, vector<1024x128xi32>
    %eq3A_54 = arith.cmpi eq, %select_n3A_25, %select_n3A_53 : vector<1024x128xi32>
    %convert_element_type3A = arith.extui %eq3A_54 : vector<1024x128xi1> to vector<1024x128xi32>
    %convert_element_type3A_55 = arith.sitofp %convert_element_type3A : vector<1024x128xi32> to vector<1024x128xf32>
    %rsqrt3A = math.rsqrt %max3A_4 : vector<1024xf32>
    %broadcast_in_dim3A = vector.shape_cast %rsqrt3A : vector<1024xf32> to vector<1024x1xf32>
    %rsqrt3A_56 = math.rsqrt %max3A_10 : vector<1024xf32>
    %broadcast_in_dim3A_57 = vector.shape_cast %rsqrt3A_56 : vector<1024xf32> to vector<1024x1xf32>
    %mul3A = vector.broadcast %broadcast_in_dim3A : vector<1024x1xf32> to vector<1024x128xf32>
    %mul3A_58 = arith.mulf %mul3A, %convert_element_type3A_55 : vector<1024x128xf32>
    %reshape3A = vector.shape_cast %mul3A_58 : vector<1024x128xf32> to vector<128x8x128xf32>
    %reduce_sum3A_59 = arith.constant dense<0.000000e+00> : vector<128x128xf32>
    %reduce_sum3A_60 = vector.multi_reduction <add>, %reshape3A, %reduce_sum3A_59 [1] : vector<128x8x128xf32> to vector<128x128xf32>
    %swap3A = arith.constant 0 : index
    %swap3A_61 = arith.constant 0 : index
    %swap3A_62 = vector.load %arg6[%swap3A, %swap3A_61] : memref<128x128xf32, #tpu.memory_space<vmem>>, vector<128x128xf32>
    tpu.vector_store %arg6[%swap3A, %swap3A_61], %reduce_sum3A_60 {strides = array<i32>} : memref<128x128xf32, #tpu.memory_space<vmem>>, vector<128x128xf32>,
    %mul3A_63 = vector.broadcast %broadcast_in_dim3A_57 : vector<1024x1xf32> to vector<1024x128xf32>
    %mul3A_64 = arith.mulf %mul3A_63, %convert_element_type3A_55 : vector<1024x128xf32>
    %reshape3A_65 = vector.shape_cast %mul3A_64 : vector<1024x128xf32> to vector<128x8x128xf32>
    %reduce_sum3A_66 = arith.constant dense<0.000000e+00> : vector<128x128xf32>
    %reduce_sum3A_67 = vector.multi_reduction <add>, %reshape3A_65, %reduce_sum3A_66 [1] : vector<128x8x128xf32> to vector<128x128xf32>
    %swap3A_68 = arith.constant 0 : index
    %swap3A_69 = arith.constant 0 : index
    %swap3A_70 = vector.load %arg5[%swap3A_68, %swap3A_69] : memref<128x128xf32, #tpu.memory_space<vmem>>, vector<128x128xf32>
    tpu.vector_store %arg5[%swap3A_68, %swap3A_69], %reduce_sum3A_67 {strides = array<i32>} : memref<128x128xf32, #tpu.memory_space<vmem>>, vector<128x128xf32>,
    %get3A_71 = arith.constant 0 : index
    %get3A_72 = arith.constant 0 : index
    %get3A_73 = vector.load %arg1[%get3A_71, %get3A_72] : memref<1024x256xf32, #tpu.memory_space<vmem>>, vector<1024x256xf32>
    %get3A_74 = arith.constant 0 : index
    %get3A_75 = arith.constant 0 : index
    %get3A_76 = vector.load %arg2[%get3A_74, %get3A_75] : memref<256x128xf32, #tpu.memory_space<vmem>>, vector<256x128xf32>
    %dot_general3A = arith.constant dense<0.000000e+00> : vector<1024x128xf32>
    %dot_general3A_77 = tpu.matmul %get3A_73, %get3A_76, %dot_general3A {dimension_numbers = #tpu.dot_dimension_numbers<[1], [0], [0], [1], [0, 0, 1, 1], [], []>, transpose_lhs_hint = false} : vector<1024x256xf32>, vector<256x128xf32>, vector<1024x128xf32> -> vector<1024x128xf32>
    %mul3A_78 = vector.broadcast %broadcast_in_dim3A : vector<1024x1xf32> to vector<1024x128xf32>
    %mul3A_79 = arith.mulf %mul3A_78, %convert_element_type3A_55 : vector<1024x128xf32>
    %mul3A_80 = arith.mulf %dot_general3A_77, %mul3A_79 : vector<1024x128xf32>
    %reshape3A_81 = vector.shape_cast %mul3A_80 : vector<1024x128xf32> to vector<128x8x128xf32>
    %reduce_sum3A_82 = arith.constant dense<0.000000e+00> : vector<128x128xf32>
    %reduce_sum3A_83 = vector.multi_reduction <add>, %reshape3A_81, %reduce_sum3A_82 [1] : vector<128x8x128xf32> to vector<128x128xf32>
    %swap3A_84 = arith.constant 0 : index
    %swap3A_85 = arith.constant 0 : index
    %swap3A_86 = vector.load %arg4[%swap3A_84, %swap3A_85] : memref<128x128xf32, #tpu.memory_space<vmem>>, vector<128x128xf32>
    tpu.vector_store %arg4[%swap3A_84, %swap3A_85], %reduce_sum3A_83 {strides = array<i32>} : memref<128x128xf32, #tpu.memory_space<vmem>>, vector<128x128xf32>,
    return
  }
  func.func @transform_0(%arg0: i32) -> (i32, i32) {
    %c0_i32 = arith.constant 0 : i32
    %c0_i32_0 = arith.constant 0 : i32
    return %arg0, %c0_i32 : i32, i32
  }
  func.func @transform_1(%arg0: i32) -> (i32, i32) {
    %c0_i32 = arith.constant 0 : i32
    %c0_i32_0 = arith.constant 0 : i32
    %c0_i32_1 = arith.constant 0 : i32
    return %c0_i32, %c0_i32_0 : i32, i32
  }
  func.func @transform_2(%arg0: i32) -> (i32, i32) {
    %c0_i32 = arith.constant 0 : i32
    %c0_i32_0 = arith.constant 0 : i32
    return %c0_i32, %arg0 : i32, i32
  }
  func.func @transform_3(%arg0: i32) -> (i32, i32) {
    %c0_i32 = arith.constant 0 : i32
    %c0_i32_0 = arith.constant 0 : i32
    return %arg0, %c0_i32 : i32, i32
  }
  func.func @transform_4(%arg0: i32) -> (i32, i32) {
    %c0_i32 = arith.constant 0 : i32
    %c0_i32_0 = arith.constant 0 : i32
    return %arg0, %c0_i32 : i32, i32
  }
  func.func @transform_5(%arg0: i32) -> (i32, i32) {
    %c0_i32 = arith.constant 0 : i32
    %c0_i32_0 = arith.constant 0 : i32
    return %arg0, %c0_i32 : i32, i32
  }
}

module attributes {stable_mosaic.version = 14 : i64} {
  func.func @_final_body(%arg0: i32, %arg1: memref<2x128x128xf32, #tpu.memory_space<vmem>>, %arg2: memref<128x128xf32, #tpu.memory_space<vmem>>, %arg3: memref<1x128xf32, #tpu.memory_space<vmem>>, %arg4: memref<128x128xf32, #tpu.memory_space<vmem>>) attributes {dimension_semantics = [#tpu.dimension_semantics<arbitrary>], iteration_bounds = array<i64: 10>, scalar_prefetch = 0 : i64, scratch_operands = 0 : i64, tpu.core_type = #tpu.core_type<tc>, window_params = [{transform_indices = @transform_0, window_bounds = array<i64: 2, 128, 128>}, {transform_indices = @transform_1, window_bounds = array<i64: 128, 128>}, {pipeline_mode = #tpu.pipeline_mode<synchronous>, transform_indices = @transform_2, window_bounds = array<i64: 1, 128>}, {transform_indices = @transform_3, window_bounds = array<i64: 128, 128>}]} {
    %get3A = arith.constant 0 : index
    %get3A_0 = arith.constant 0 : index
    %get3A_1 = arith.constant 0 : index
    %get3A_2 = vector.load %arg1[%get3A, %get3A_0, %get3A_1] : memref<2x128x128xf32, #tpu.memory_space<vmem>>, vector<1x128x128xf32>
    %get3A_3 = vector.shape_cast %get3A_2 : vector<1x128x128xf32> to vector<128x128xf32>
    %get3A_4 = arith.constant 1 : index
    %get3A_5 = arith.constant 0 : index
    %get3A_6 = arith.constant 0 : index
    %get3A_7 = vector.load %arg1[%get3A_4, %get3A_5, %get3A_6] : memref<2x128x128xf32, #tpu.memory_space<vmem>>, vector<1x128x128xf32>
    %get3A_8 = vector.shape_cast %get3A_7 : vector<1x128x128xf32> to vector<128x128xf32>
    %add3A = arith.addf %get3A_3, %get3A_8 : vector<128x128xf32>
    %get3A_9 = arith.constant 0 : index
    %get3A_10 = arith.constant 0 : index
    %get3A_11 = vector.load %arg2[%get3A_9, %get3A_10] : memref<128x128xf32, #tpu.memory_space<vmem>>, vector<128x128xf32>
    %mul3A = arith.mulf %add3A, %get3A_11 : vector<128x128xf32>
    %get3A_12 = arith.constant 0 : index
    %get3A_13 = arith.constant 0 : index
    %get3A_14 = vector.load %arg3[%get3A_12, %get3A_13] : memref<1x128xf32, #tpu.memory_space<vmem>>, vector<1x128xf32>
    %add3A_15 = vector.broadcast %get3A_14 : vector<1x128xf32> to vector<128x128xf32>
    %add3A_16 = arith.addf %mul3A, %add3A_15 : vector<128x128xf32>
    %swap3A = arith.constant 0 : index
    %swap3A_17 = arith.constant 0 : index
    %swap3A_18 = vector.load %arg4[%swap3A, %swap3A_17] : memref<128x128xf32, #tpu.memory_space<vmem>>, vector<128x128xf32>
    tpu.vector_store %arg4[%swap3A, %swap3A_17], %add3A_16 {strides = array<i32>} : memref<128x128xf32, #tpu.memory_space<vmem>>, vector<128x128xf32>,
    return
  }
  func.func @transform_0(%arg0: i32) -> (i32, i32, i32) {
    %c0_i32 = arith.constant 0 : i32
    %c0_i32_0 = arith.constant 0 : i32
    %c0_i32_1 = arith.constant 0 : i32
    return %c0_i32, %arg0, %c0_i32_0 : i32, i32, i32
  }
  func.func @transform_1(%arg0: i32) -> (i32, i32) {
    %c0_i32 = arith.constant 0 : i32
    %c0_i32_0 = arith.constant 0 : i32
    return %arg0, %c0_i32 : i32, i32
  }
  func.func @transform_2(%arg0: i32) -> (i32, i32) {
    %c0_i32 = arith.constant 0 : i32
    %c0_i32_0 = arith.constant 0 : i32
    %c0_i32_1 = arith.constant 0 : i32
    return %c0_i32, %c0_i32_0 : i32, i32
  }
  func.func @transform_3(%arg0: i32) -> (i32, i32) {
    %c0_i32 = arith.constant 0 : i32
    %c0_i32_0 = arith.constant 0 : i32
    return %arg0, %c0_i32 : i32, i32
  }
}

module attributes {stable_mosaic.version = 14 : i64} {
  func.func @_mid_body(%arg0: i32, %arg1: memref<2x128x128xf32, #tpu.memory_space<vmem>>, %arg2: memref<128x128xf32, #tpu.memory_space<vmem>>, %arg3: memref<128x128xf32, #tpu.memory_space<vmem>>, %arg4: memref<1x128xf32, #tpu.memory_space<vmem>>, %arg5: memref<128x128xf32, #tpu.memory_space<vmem>>, %arg6: memref<128x128xf32, #tpu.memory_space<vmem>>) attributes {dimension_semantics = [#tpu.dimension_semantics<arbitrary>], iteration_bounds = array<i64: 10>, scalar_prefetch = 0 : i64, scratch_operands = 0 : i64, tpu.core_type = #tpu.core_type<tc>, window_params = [{transform_indices = @transform_0, window_bounds = array<i64: 2, 128, 128>}, {transform_indices = @transform_1, window_bounds = array<i64: 128, 128>}, {transform_indices = @transform_2, window_bounds = array<i64: 128, 128>}, {pipeline_mode = #tpu.pipeline_mode<synchronous>, transform_indices = @transform_3, window_bounds = array<i64: 1, 128>}, {pipeline_mode = #tpu.pipeline_mode<synchronous>, transform_indices = @transform_4, window_bounds = array<i64: 128, 128>}, {transform_indices = @transform_5, window_bounds = array<i64: 128, 128>}]} {
    %get3A = arith.constant 0 : index
    %get3A_0 = arith.constant 0 : index
    %get3A_1 = arith.constant 0 : index
    %get3A_2 = vector.load %arg1[%get3A, %get3A_0, %get3A_1] : memref<2x128x128xf32, #tpu.memory_space<vmem>>, vector<1x128x128xf32>
    %get3A_3 = vector.shape_cast %get3A_2 : vector<1x128x128xf32> to vector<128x128xf32>
    %get3A_4 = arith.constant 1 : index
    %get3A_5 = arith.constant 0 : index
    %get3A_6 = arith.constant 0 : index
    %get3A_7 = vector.load %arg1[%get3A_4, %get3A_5, %get3A_6] : memref<2x128x128xf32, #tpu.memory_space<vmem>>, vector<1x128x128xf32>
    %get3A_8 = vector.shape_cast %get3A_7 : vector<1x128x128xf32> to vector<128x128xf32>
    %add3A = arith.addf %get3A_3, %get3A_8 : vector<128x128xf32>
    %get3A_9 = arith.constant 0 : index
    %get3A_10 = arith.constant 0 : index
    %get3A_11 = vector.load %arg2[%get3A_9, %get3A_10] : memref<128x128xf32, #tpu.memory_space<vmem>>, vector<128x128xf32>
    %mul3A = arith.mulf %add3A, %get3A_11 : vector<128x128xf32>
    %get3A_12 = arith.constant 0 : index
    %get3A_13 = arith.constant 0 : index
    %get3A_14 = vector.load %arg4[%get3A_12, %get3A_13] : memref<1x128xf32, #tpu.memory_space<vmem>>, vector<1x128xf32>
    %add3A_15 = vector.broadcast %get3A_14 : vector<1x128xf32> to vector<128x128xf32>
    %add3A_16 = arith.addf %mul3A, %add3A_15 : vector<128x128xf32>
    %max3A = arith.constant 0.000000e+00 : f32
    %max3A_17 = vector.broadcast %max3A : f32 to vector<128x128xf32>
    %max3A_18 = arith.maximumf %add3A_16, %max3A_17 : vector<128x128xf32>
    %get3A_19 = arith.constant 0 : index
    %get3A_20 = arith.constant 0 : index
    %get3A_21 = vector.load %arg5[%get3A_19, %get3A_20] : memref<128x128xf32, #tpu.memory_space<vmem>>, vector<128x128xf32>
    %dot_general3A = arith.constant dense<0.000000e+00> : vector<128x128xf32>
    %dot_general3A_22 = tpu.matmul %max3A_18, %get3A_21, %dot_general3A {dimension_numbers = #tpu.dot_dimension_numbers<[1], [0], [0], [1], [0, 0, 1, 1], [], []>, transpose_lhs_hint = false} : vector<128x128xf32>, vector<128x128xf32>, vector<128x128xf32> -> vector<128x128xf32>
    %get3A_23 = arith.constant 0 : index
    %get3A_24 = arith.constant 0 : index
    %get3A_25 = vector.load %arg3[%get3A_23, %get3A_24] : memref<128x128xf32, #tpu.memory_space<vmem>>, vector<128x128xf32>
    %mul3A_26 = arith.mulf %dot_general3A_22, %get3A_25 : vector<128x128xf32>
    %swap3A = arith.constant 0 : index
    %swap3A_27 = arith.constant 0 : index
    %swap3A_28 = vector.load %arg6[%swap3A, %swap3A_27] : memref<128x128xf32, #tpu.memory_space<vmem>>, vector<128x128xf32>
    tpu.vector_store %arg6[%swap3A, %swap3A_27], %mul3A_26 {strides = array<i32>} : memref<128x128xf32, #tpu.memory_space<vmem>>, vector<128x128xf32>,
    return
  }
  func.func @transform_0(%arg0: i32) -> (i32, i32, i32) {
    %c0_i32 = arith.constant 0 : i32
    %c0_i32_0 = arith.constant 0 : i32
    %c0_i32_1 = arith.constant 0 : i32
    return %c0_i32, %arg0, %c0_i32_0 : i32, i32, i32
  }
  func.func @transform_1(%arg0: i32) -> (i32, i32) {
    %c0_i32 = arith.constant 0 : i32
    %c0_i32_0 = arith.constant 0 : i32
    return %arg0, %c0_i32 : i32, i32
  }
  func.func @transform_2(%arg0: i32) -> (i32, i32) {
    %c0_i32 = arith.constant 0 : i32
    %c0_i32_0 = arith.constant 0 : i32
    return %arg0, %c0_i32 : i32, i32
  }
  func.func @transform_3(%arg0: i32) -> (i32, i32) {
    %c0_i32 = arith.constant 0 : i32
    %c0_i32_0 = arith.constant 0 : i32
    %c0_i32_1 = arith.constant 0 : i32
    return %c0_i32, %c0_i32_0 : i32, i32
  }
  func.func @transform_4(%arg0: i32) -> (i32, i32) {
    %c0_i32 = arith.constant 0 : i32
    %c0_i32_0 = arith.constant 0 : i32
    %c0_i32_1 = arith.constant 0 : i32
    return %c0_i32, %c0_i32_0 : i32, i32
  }
  func.func @transform_5(%arg0: i32) -> (i32, i32) {
    %c0_i32 = arith.constant 0 : i32
    %c0_i32_0 = arith.constant 0 : i32
    return %arg0, %c0_i32 : i32, i32
  }
}

</mosaic_0001>

<sc_bundles>
// kernel: kernel.11.cloned.1.call-start
scs
__scs_entry_jumppad:
0x0: {  	(pc) =	sbr.rel $0x88, $3  }
0x1: {  	(tag) =	ssettag $0x0;
	lr =	simm.s32 $0x1  }
0x2: {  	[smem:$0x3F9B] =	sst lr;
	_ =	strace $0xD0000000  }
0x3: {  	_ = 	snop  }
0x4: {  	_ = 	snop  }
0x5: {  	_ = 	snop  }
0x6: {  	_ = 	snop  }
0x7: {  	_ = 	snop  }
__scs_overlays_trampoline_lowered:
0x8: {  	[smem:$0x3FAA] =	sst s0  }
0x9: {  	[smem:$0x3FAB] =	sst s1  }
0xa: {  	[smem:$0x3FAC] =	sst s2  }
0xb: {  	[smem:$0x3FAD] =	sst s3  }
0xc: {  	[smem:$0x3FAE] =	sst s4  }
0xd: {  	[smem:$0x3FAF] =	sst s5  }
0xe: {  	[smem:$0x3FB0] =	sst s6  }
0xf: {  	[smem:$0x3FB1] =	sst s7  }
0x10: {  	[smem:$0x3FB2] =	sst s8  }
0x11: {  	[smem:$0x3FB3] =	sst s9;
	s0 =	simm.s32 @!p0 $0x0  }
0x12: {  	s1 =	sld [smem:$0x3F99];
	s0 =	simm.s32 @p0 $0x1  }
0x13: {  	[smem:$0x3FB4] =	sst s0;
	s0 =	simm.s32 @!p1 $0x0  }
0x14: {  	s2 =	sld [smem:$0x3F98];
	s0 =	simm.s32 @p1 $0x1  }
0x15: {  	[smem:$0x3FB5] =	sst s0;
	s0 =	simm.s32 @!p2 $0x0  }
0x16: {  	s3 =	sld [smem:$0x3FDB];
	s0 =	simm.s32 @p2 $0x1  }
0x17: {  	s4 =	simm.s32 $0x1BF5;
	[smem:$0x3FB7] =	sst s0  }
0x18: {  	s0 =	sld [smem:$0x3F9A];
	_ =	swait.ge [sflag:s4], $0x0  }
0x19: {  	s7 =	sld [smem:$0x3F9B]  }
0x1a: {  	s8 =	sadd.s32 $0xFFFFE003, lr  }
0x1b: {  	s9 =	sadd.s32 $0xFFFFFEF7, lr;
	s5 =	simm.s32 $0xFFFFFFFF;
	p2 =	slt.u32 s8, $0xFFFFF086  }
0x1c: {  	p1 =	slt.u32 s9, $0xF7A;
	s5 =	simm.s32 @!p2 $0x0  }
0x1d: {  	s5 =	simm.s32 @p1 $0x1;
	p0 =	seq.s32 s7, s2  }
0x1e: {  	s7 =	smul.u32 @!p0 $0xF7A, s2;
	p2 =	seq.s32 @!p0 s5, $0x0  }
0x1f: {  	s9 =	smul.u32 $0xF7A, s1;
	s8 =	simm.s32 @!p0 $0x1BF5;
	p2 =	por !p2, p0  }
0x20: {  	[sflag:s8] =	ssyncset.s32 @!p0 $0xFFFFF086;
	s6 =	sadd.s32 @!p0 s3, s7;
	s7 =	simm.s32 @!p0 $0x108  }
0x21: {  	s3 =	sadd.s32 s3, s9;
	s6 =	sadd.s32 @!p0 $0x88, s6;
	s7 =	simm.s32 @p2 $0x1082  }
0x22: {  	[simem:s7], [sflag:s8] =	dma.local @!p0 [hbm:s6], $0xF7A  }
0x23: {  	s9 =	sor.u32 $0xD0000000, s2;
	s6 =	simm.s32 $0x108;
	_ =	swait.ge @!p0 [sflag:s8], $0x0  }
0x24: {  	s3 =	sadd.s32 $0x88, s3;
	s6 =	simm.s32 @!p1 $0x1082;
	[sflag:s4] =	ssyncset.s32 $0xFFFFF086  }
0x25: {  	[simem:s6], [sflag:s4] =	dma.local [hbm:s3], $0xF7A  }
0x26: {  	[smem:$0x3F9B] =	sst s1;
	(tag) =	ssettag s2;
	_ =	strace s9  }
0x27: {  	s1 =	sld [smem:$0x3FAB]  }
0x28: {  	s2 =	sld [smem:$0x3FAC]  }
0x29: {  	s4 =	sld [smem:$0x3FAE]  }
0x2a: {  	p0 =	seq.s32 s5, $0x0;
	s5 =	sld [smem:$0x3FAF]  }
0x2b: {  	s6 =	sld [smem:$0x3FB0]  }
0x2c: {  	s7 =	sld [smem:$0x3FB1]  }
0x2d: {  	s3 =	simm.s32 $0x108;
	s8 =	sld [smem:$0x3FB2]  }
0x2e: {  	s3 =	simm.s32 @!p0 $0x1082;
	s9 =	sld [smem:$0x3FB3]  }
0x2f: {  	lr =	sadd.s32 s0, s3;
	s0 =	sld [smem:$0x3FAA]  }
0x30: {  	s3 =	sld [smem:$0x3FAD]  }
0x31: {  	[smem:$0x3FB6] =	sst s10  }
0x32: {  	s10 =	sld [smem:$0x3FB4];
	_ =	sdelay $0x3  }
0x33: {  	p0 =	seq.s32 s10, $0x1;
	s10 =	sld [smem:$0x3FB6];
	_ =	sdelay $0x3  }
0x34: {  	[smem:$0x3FB6] =	sst s10  }
0x35: {  	s10 =	sld [smem:$0x3FB5];
	_ =	sdelay $0x3  }
0x36: {  	p1 =	seq.s32 s10, $0x1;
	s10 =	sld [smem:$0x3FB6];
	_ =	sdelay $0x3  }
0x37: {  	[smem:$0x3FB6] =	sst s10  }
0x38: {  	s10 =	sld [smem:$0x3FB7]  }
0x39: {  	_ = 	snop;
	(pc) =	sbr.ind lr, $3  }
0x3a: {  	_ = 	snop  }
0x3b: {  	_ = 	snop  }
0x3c: {  	p2 =	seq.s32 s10, $0x1;
	s10 =	sld [smem:$0x3FB6]  }
0x3d: {  	_ =	shalt  }
0x3e: {  	_ =	shalt  }
0x3f: {  	_ =	shalt  }
0x40: {  	_ =	shalt  }
0x41: {  	_ =	shalt  }
0x42: {  	_ =	shalt  }
0x43: {  	_ =	shalt  }
0x44: {  	_ =	shalt  }
0x45: {  	_ =	shalt  }
0x46: {  	_ =	shalt  }
0x47: {  	_ =	shalt  }
0x48: {  	_ =	shalt  }
0x49: {  	_ =	shalt  }
0x4a: {  	_ =	shalt  }
0x4b: {  	_ =	shalt  }
0x4c: {  	_ =	shalt  }
0x4d: {  	_ =	shalt  }
0x4e: {  	_ =	shalt  }
0x4f: {  	_ =	shalt  }
0x50: {  	_ =	shalt  }
0x51: {  	_ =	shalt  }
0x52: {  	_ =	shalt  }
0x53: {  	_ =	shalt  }
0x54: {  	_ =	shalt  }
0x55: {  	_ =	shalt  }
0x56: {  	_ =	shalt  }
0x57: {  	_ =	shalt  }
0x58: {  	_ =	shalt  }
0x59: {  	_ =	shalt  }
0x5a: {  	_ =	shalt  }
0x5b: {  	_ =	shalt  }
0x5c: {  	_ =	shalt  }
0x5d: {  	_ =	shalt  }
0x5e: {  	_ =	shalt  }
0x5f: {  	_ =	shalt  }
0x60: {  	_ =	shalt  }
0x61: {  	_ =	shalt  }
0x62: {  	_ =	shalt  }
0x63: {  	_ =	shalt  }
0x64: {  	_ =	shalt  }
0x65: {  	_ =	shalt  }
0x66: {  	_ =	shalt  }
0x67: {  	_ =	shalt  }
0x68: {  	_ =	shalt  }
0x69: {  	_ =	shalt  }
0x6a: {  	_ =	shalt  }
0x6b: {  	_ =	shalt  }
0x6c: {  	_ =	shalt  }
0x6d: {  	_ =	shalt  }
0x6e: {  	_ =	shalt  }
0x6f: {  	_ =	shalt  }
0x70: {  	_ =	shalt  }
0x71: {  	_ =	shalt  }
0x72: {  	_ =	shalt  }
0x73: {  	_ =	shalt  }
0x74: {  	_ =	shalt  }
0x75: {  	_ =	shalt  }
0x76: {  	_ =	shalt  }
0x77: {  	_ =	shalt  }
0x78: {  	_ =	shalt  }
0x79: {  	_ =	shalt  }
0x7a: {  	_ =	shalt  }
0x7b: {  	_ =	shalt  }
0x7c: {  	_ =	shalt  }
0x7d: {  	_ =	shalt  }
0x7e: {  	_ =	shalt  }
0x7f: {  	_ =	shalt  }
0x80: {  	_ =	shalt  }
0x81: {  	_ =	shalt  }
0x82: {  	_ =	shalt  }
0x83: {  	_ =	shalt  }
0x84: {  	_ =	shalt  }
0x85: {  	_ =	shalt  }
0x86: {  	_ =	shalt  }
0x87: {  	_ =	shalt  }
.Lfunc_end0:
.L_simem_size_0:
called_computation.1_lowered:
.L_overlay_start_0:
0x88: {  	s2 =	sld [smem:$0x3FD9]  }
0x89: {  	s3 =	sld [smem:$0x3FFE];
	_ =	sdelay $0x1  }
0x8a: {  	s1 =	srdreg.scid  }
0x8b: {  	s0 =	sand.u32 $0x1, s1  }
0x8c: {  	s16 =	sshll.u32 s0, $0xA;
	s2 =	sadd.s32 s3, s2  }
0x8d: {  	s2 =	sadd.s32 s2, s16  }
0x8e: {  	[smem:$0x3FC2] =	sst s2  }
0x8f: {  	_ = 	snop  }
0x90: {  	(tm) =	ssettm $0x1  }
0x91: {  	s17 =	sld [smem:$0x3FFB];
	_ =	sdelay $0x3  }
0x92: {  	_ =	strace s17  }
0x93: {  	s2 =	sld [smem:$0x3FFC];
	_ =	sdelay $0x3  }
0x94: {  	_ =	strace s2  }
0x95: {  	s2 =	sld [smem:$0x3FFD];
	_ =	sdelay $0x3  }
0x96: {  	_ =	strace s2  }
0x97: {  	_ =	strace $0x8FFFFFFF  }
0x98: {  	s18 =	sld [smem:$0x3FDB];
	_ =	sdelay $0x1  }
0x99: {  	s19 =	simm.s32 $_scs_section_size  }
0x9a: {  	s4 =	simm.s32 $_size__tile_overlayer_lowered;
	s5 =	simm.s32 $_tile_overlayer_lowered  }
0x9b: {  	s22 =	simm.s32 $0x1BFF;
	s21 =	sshll.u32 s5, $0x1;
	s2 =	sadd.s32 s19, s18  }
0x9c: {  	s6 =	simm.s32 $0x0;
	s20 =	sshll.u32 s4, $0x1;
	s4 =	sadd.s32 s21, s2  }
0x9d: {  	[timem:s6], [sflag:s22] =	dma.local [hbm:s4], s20  }
0x9e: {  	_ =	swait.ge [sflag:s22], s20  }
0x9f: {  	s3 =	ssub.s32 $0x0, s20;
	[sflag:s22] =	ssyncset.done $0x0  }
0xa0: {  	[sflag:s22] =	ssyncadd.s32 s3;
	_ =	sdelay $0x1  }
0xa1: {  	s23 =	simm.s32 $0x1B8B  }
0xa2: {  	_ =	swait.ge [sflag:s23], $0x1  }
0xa3: {  	[sflag:s23] =	ssyncset.done $0x0  }
0xa4: {  	s25 =	simm.s32 $0x1B8E;
	s24 =	sld [smem:$0x3FFE];
	[sflag:s23] =	ssyncadd.s32 $0xFFFFFFFF  }
0xa5: {  	s26 =	simm.s32 $execute0_lowered;
	[smem:$0x3FD2] =	sst s25  }
0xa6: {  	s4 =	sshll.u32 s26, $0x1;
	_ =	strace $0x80000049;
	[dreg:$0x1] =	wrdreg $0xFFFFFFFF  }
0xa7: {  	s28 =	simm.s32 $_size_execute0_lowered;
	s2 =	sadd.s32 s2, s4;
	[dreg:$0x0] =	wrdreg $0x0  }
0xa8: {  	s4 =	sshll.u32 s28, $0x1;
	[dreg:$0x2] =	wrdreg s2  }
0xa9: {  	[dreg:$0x3] =	wrdreg s4  }
0xaa: {  	[dreg:$0x4] =	wrdreg $0xC0  }
0xab: {  	_ =	task [dreg:s6], $0x5FFFF  }
0xac: {  	[dreg:$0x1] =	wrdreg $0xFFFFFFFF  }
0xad: {  	[dreg:$0x0] =	wrdreg $0x60  }
0xae: {  	[dreg:$0x2] =	wrdreg s24  }
0xaf: {  	[dreg:$0x3] =	wrdreg $0x167900  }
0xb0: {  	[dreg:$0x4] =	wrdreg $0x9  }
0xb1: {  	_ =	task.clear_ibuf [dreg:s6], $0x5FFFF;
	_ =	strace $0x90000049  }
0xb2: {  	s29 =	simm.s32 $0x9;
	_ =	strace $0x8000004B  }
0xb3: {  	_ =	swait.ge [sflag:s29], $0x1  }
0xb4: {  	[sflag:s29] =	ssyncadd.s32 $0xFFFFFFFF  }
0xb5: {  	_ =	strace $0x9000004B  }
0xb6: {  	_ =	sfence  }
0xb7: {  	s30 =	sld [smem:$0x0];
	_ =	sdelay $0x2  }
0xb8: {  	s31 =	sshll.u32 s1, $0xD;
	s1 =	sshrl.u32 s1, $0x2  }
0xb9: {  	s3 =	sand.u32 $0x4000, s31;
	s1 =	sadd.s32 s1, s30  }
0xba: {  	s0 =	sor.u32 s3, s0;
	s1 =	sshll.u32 s1, $0x11  }
0xbb: {  	s0 =	sor.u32 s1, s0  }
0xbc: {  	s0 =	sadd.s32 $0x8F2B, s0  }
0xbd: {  	[sflag:s0] =	ssyncadd.remote.s32 $0x1  }
0xbe: {  	_ =	sfence.sel $0xFFFF  }
0xbf: {  	[dreg:$0x0] =	wrdreg $0xFFFFFFFF;
	(pc) =	sbr.abs _section_cstart, $3  }
0xc0: {  	[dreg:$0x1] =	wrdreg $0xFFFFFFFF  }
0xc1: {  	_ =	task.clear_ibuf [dreg:s6], $0x2FFFF;
	_ =	strace $0x9FFFFFFF  }
0xc2: {  	(tm) =	ssettm $0x7FFFFFFF  }
0xc3: {  	_ =	shalt  }
tec
execute0_lowered:
.L_overlay_start_1:
0x0: {  	(tag) =	ssettag $0x1  }
0x1: {  	s6 =	rddreg [dreg:$0x0]  }
0x2: {  	s0 =	srdreg.scid;
	s2 =	rddreg [dreg:$0x1]  }
0x3: {  	s3 =	simm.s32 $0x0;
	s14 =	simm.s32 $0x1388;
	s15 =	simm.s32 $0x1  }
0x4: {  	s16 =	simm.s32 $0x2710;
	s17 =	simm.s32 $0x15F90;
	s18 =	simm.s32 $0x3  }
0x5: {  	s19 =	simm.s32 $0x2;
	s5 =	sand.u32 $0x1, s0;
	s0 =	stileid.u32  }
0x6: {  	s22 =	simm.s32 $0x0;
	[smem:$0x7FF] =	sst s3;
	s8 =	smul.u32 $0x28000, s5  }
0x7: {  	s4 =	sadd.s32 $0xC800, s6;
	s1 =	sshll.u32 s5, $0x4;
	s9 =	smul.u32 $0x2800, s0  }
0x8: {  	s5 =	ssub.s32 $0x2, s5;
	s11 =	smul.u32 $0xA000, s0;
	s20 =	sshll.u32 s0, $0x6  }
0x9: {  	s1 =	sor.u32 s0, s1;
	s10 =	sshrl.u32 s5, $0x1;
	s20 =	sor.u32 $0x1C03, s20  }
0xa: {  	s7 =	smul.u32 $0x1388, s1;
	s1 =	rddreg [dreg:$0x2];
	_ =	strace $0x8000004A  }
0xb: {  	s8 =	sadd.s32 s9, s8;
	s10 =	ssub.s32 s5, s10;
	s31 =	sshrl.u32 s11, $0x2  }
0xc: {  	s21 =	sadd.s32 s9, s2;
	s8 =	sshrl.u32 s8, $0x3;
	s7 =	sshrl.u32 s7, $0x3  }
0xd: {  	s9 =	smax.u32 s10, $0x1;
	s8 =	sadd.s32 s8, s6;
	s7 =	sadd.s32 s7, s6  }
0xe: {  	s5 =	sadd.s32 $0x2A00, s7;
	s6 =	sadd.s32 $0x7820, s7;
	s7 =	sadd.s32 s31, s2  }
0xf: {  	s21 =	sshrl.u32 s21, $0x3;
	s8 =	sadd.s32 $0x11800, s8;
	s10 =	sadd.s32 $0x800, s7  }
0x10: {  	v0 =	vimm.f32 $0.0e+00;
	s11 =	sadd.s32 $0x1000, s7;
	s12 =	sadd.s32 $0x1800, s7;
	s13 =	sadd.s32 $0x2000, s7  }
.LBB2_1:
0x11: {  	[tilespmem:s3], [sflag:$0x1] =	stream.linear.gather [hbm4b:s5+s3], $0x1388, $0x38;
	[tilespmem:$0x18F90] =	vst v63  }
0x12: {  	s23 =	simm.s32 $0x0;
	s24 =	simm.s32 $0x200  }
0x13: {  	[tilespmem:s14], [sflag:$0x1] =	stream.linear.gather [hbm4b:s6+s3], $0x1388, $0x38;
	[tilespmem:$0x18F90] =	vst v63  }
.LBB2_2:
0x14: {  	p0 =	sne.s32 s24, $0x1E00;
	[tilespmem:s23+$0x16000] =	vst v0  }
0x15: {  	[tilespmem:s23+$0x15F90] =	vst v0  }
0x16: {  	[tilespmem:s23+$0x15FA0] =	vst v0  }
.Ltmp0:
0x17: {  	[tilespmem:s23+$0x15FB0] =	vst v0;
	(pc) =	sbr.rel @p0 .LBB2_2-.Ltmp0, $4  }
0x18: {  	[tilespmem:s23+$0x15FC0] =	vst v0  }
0x19: {  	[tilespmem:s23+$0x15FD0] =	vst v0  }
0x1a: {  	[tilespmem:s23+$0x15FE0] =	vst v0  }
0x1b: {  	[tilespmem:s23+$0x15FF0] =	vst v0;
	s23 =	sshra.s32 s24, $0x2;
	s24 =	sadd.s32 $0x200, s24  }
0x1c: {  	[tilespmem:s23+$0x16000] =	vst v0  }
0x1d: {  	[tilespmem:s23+$0x15F90] =	vst v0  }
0x1e: {  	[tilespmem:s23+$0x15FA0] =	vst v0  }
0x1f: {  	[tilespmem:s23+$0x15FB0] =	vst v0  }
0x20: {  	[tilespmem:s23+$0x15FC0] =	vst v0  }
0x21: {  	[tilespmem:s23+$0x15FD0] =	vst v0  }
0x22: {  	[tilespmem:s23+$0x15FE0] =	vst v0  }
0x23: {  	[tilespmem:s23+$0x15FF0] =	vst v0  }
0x24: {  	_ =	swait.ge [sflag:s15], $0x1388  }
0x25: {  	[sflag:s15] =	ssyncset.done $0x0  }
0x26: {  	[sflag:s15] =	ssyncadd.s32 $0xFFFFEC78  }
0x27: {  	[tilespmem:s16], [sflag:$0x2] =	stream.indirect.gather [hbm4b:s4+s14], $0x10, s3, s14, $0xb8;
	[tilespmem:$0x18F90] =	vst v63  }
0x28: {  	_ = 	snop  }
0x29: {  	[spmem:s7] =	stream.linear.scatter [tilespmem:s17], [sflag:$0x3], $0x800, $0x38;
	[tilespmem:$0x18F90] =	vst v63  }
0x2a: {  	_ =	swait.ge [sflag:s18], $0x800  }
0x2b: {  	[sflag:s18] =	ssyncset.done $0x0  }
0x2c: {  	[sflag:s18] =	ssyncadd.s32 $0xFFFFF800  }
0x2d: {  	[spmem:s10] =	stream.linear.scatter [tilespmem:s17], [sflag:$0x3], $0x800, $0x38;
	[tilespmem:$0x18F90] =	vst v63  }
0x2e: {  	_ =	swait.ge [sflag:s18], $0x800  }
0x2f: {  	[sflag:s18] =	ssyncset.done $0x0  }
0x30: {  	[sflag:s18] =	ssyncadd.s32 $0xFFFFF800  }
0x31: {  	[spmem:s11] =	stream.linear.scatter [tilespmem:s17], [sflag:$0x3], $0x800, $0x38;
	[tilespmem:$0x18F90] =	vst v63  }
0x32: {  	_ =	swait.ge [sflag:s18], $0x800  }
0x33: {  	[sflag:s18] =	ssyncset.done $0x0  }
0x34: {  	[sflag:s18] =	ssyncadd.s32 $0xFFFFF800  }
0x35: {  	[spmem:s12] =	stream.linear.scatter [tilespmem:s17], [sflag:$0x3], $0x800, $0x38;
	[tilespmem:$0x18F90] =	vst v63  }
0x36: {  	_ =	swait.ge [sflag:s18], $0x800  }
0x37: {  	[sflag:s18] =	ssyncset.done $0x0  }
0x38: {  	[sflag:s18] =	ssyncadd.s32 $0xFFFFF800  }
0x39: {  	[spmem:s13] =	stream.linear.scatter [tilespmem:s17], [sflag:$0x3], $0x800, $0x38;
	[tilespmem:$0x18F90] =	vst v63  }
0x3a: {  	_ =	swait.ge [sflag:s18], $0x800  }
0x3b: {  	[sflag:s18] =	ssyncset.done $0x0  }
0x3c: {  	[sflag:s18] =	ssyncadd.s32 $0xFFFFF800  }
0x3d: {  	_ =	swait.ge [sflag:s15], $0x1388  }
0x3e: {  	[sflag:s15] =	ssyncset.done $0x0  }
0x3f: {  	[sflag:s15] =	ssyncadd.s32 $0xFFFFEC78  }
0x40: {  	[bflag:$0x0] =	sbarrier.arrive $0xFFFF  }
0x41: {  	_ =	swait.ge [sflag:s19], $0x13880  }
0x42: {  	[sflag:s19] =	ssyncset.done $0x0  }
0x43: {  	[sflag:s19] =	ssyncadd.s32 $0xFFFEC780  }
0x44: {  	[spmem:s2] =	stream.indirect.scatter.add.f32 [tilespmem:s16], [sflag:$0x3], $0x10, s14, s14, $0xb8;
	[tilespmem:$0x18F90] =	vst v63  }
0x45: {  	_ =	swait.ge [sflag:s18], $0x13880  }
0x46: {  	s22 =	sadd.s32 $0x1, s22;
	[sflag:s18] =	ssyncset.done $0x0  }
0x47: {  	p0 =	sne.s32 s22, s9;
	[sflag:s18] =	ssyncadd.s32 $0xFFFEC780  }
.Ltmp1:
0x48: {  	[bflag:$0x0] =	sbarrier.arrive $0xFFFF;
	(pc) =	sbr.rel @p0 .LBB2_1-.Ltmp1, $4  }
0x49: {  	[hbm:s8], [sflag:s20] =	dma.local [spmem:s21], $0x500  }
0x4a: {  	_ =	swait.ge [sflag:s18], $0x500  }
0x4b: {  	[sflag:s18] =	ssyncset.done $0x0  }
0x4c: {  	[sflag:s18] =	ssyncadd.s32 $0xFFFFFB00  }
0x4d: {  	_ =	sfence.sel $0x180000  }
0x4e: {  	[bflag:$0x0] =	sbarrier.arrive $0xFFFF  }
0x4f: {  	p0 =	sne.s32 s0, $0x0;
	_ =	strace $0x9000004A  }
0x50: {  	s0 =	sadd.s32 @!p0 $0x100000, s1;
	[bflag:$0x2] =	sbarrier.arrive $0xFFFF  }
0x51: {  	[sflag:s0] =	ssyncadd.tile.s32 @!p0 $0x1;
	_ =	shalt  }
.Lfunc_end2:
_tile_overlayer_lowered:
.L_overlay_start_2:
0x52: {  	(tag) =	ssettag $0x2  }
0x53: {  	s0 =	rddreg [dreg:$0x0];
	s2 =	stileid.u32  }
0x54: {  	s1 =	rddreg [dreg:$0x1];
	p0 =	sne.s32 s2, $0x0  }
0x55: {  	s3 =	rddreg [dreg:$0x2];
	[bflag:$0x3] =	sbarrier.arrive $0xFFFF;
	s2 =	simm.s32 @!p0 $0x1C03  }
0x56: {  	[timem:s3], [sflag:s2] =	dma.local @!p0 [hbm:s0], s1  }
0x57: {  	s0 =	simm.s32 @!p0 $0x3  }
0x58: {  	_ =	swait.ge @!p0 [sflag:s0], s1  }
0x59: {  	s1 =	ssub.s32 @!p0 $0x0, s1;
	[sflag:s0] =	ssyncset.done @!p0 $0x0  }
0x5a: {  	[sflag:s0] =	ssyncadd.s32 @!p0 s1  }
0x5b: {  	[bflag:$0x3] =	sbarrier.arrive $0xFFFF  }
0x5c: {  	_ =	shalt  }

// kernel: kernel.14.cloned.1.call-start
scs
__scs_entry_jumppad:
0x0: {  	(pc) =	sbr.rel $0x88, $3  }
0x1: {  	(tag) =	ssettag $0x0;
	lr =	simm.s32 $0x1  }
0x2: {  	[smem:$0x3F9B] =	sst lr;
	_ =	strace $0xD0000000  }
0x3: {  	_ = 	snop  }
0x4: {  	_ = 	snop  }
0x5: {  	_ = 	snop  }
0x6: {  	_ = 	snop  }
0x7: {  	_ = 	snop  }
__scs_overlays_trampoline_lowered:
0x8: {  	[smem:$0x3FAA] =	sst s0  }
0x9: {  	[smem:$0x3FAB] =	sst s1  }
0xa: {  	[smem:$0x3FAC] =	sst s2  }
0xb: {  	[smem:$0x3FAD] =	sst s3  }
0xc: {  	[smem:$0x3FAE] =	sst s4  }
0xd: {  	[smem:$0x3FAF] =	sst s5  }
0xe: {  	[smem:$0x3FB0] =	sst s6  }
0xf: {  	[smem:$0x3FB1] =	sst s7  }
0x10: {  	[smem:$0x3FB2] =	sst s8  }
0x11: {  	[smem:$0x3FB3] =	sst s9;
	s0 =	simm.s32 @!p0 $0x0  }
0x12: {  	s1 =	sld [smem:$0x3F99];
	s0 =	simm.s32 @p0 $0x1  }
0x13: {  	[smem:$0x3FB4] =	sst s0;
	s0 =	simm.s32 @!p1 $0x0  }
0x14: {  	s2 =	sld [smem:$0x3F98];
	s0 =	simm.s32 @p1 $0x1  }
0x15: {  	[smem:$0x3FB5] =	sst s0;
	s0 =	simm.s32 @!p2 $0x0  }
0x16: {  	s3 =	sld [smem:$0x3FDB];
	s0 =	simm.s32 @p2 $0x1  }
0x17: {  	s4 =	simm.s32 $0x1BF5;
	[smem:$0x3FB7] =	sst s0  }
0x18: {  	s0 =	sld [smem:$0x3F9A];
	_ =	swait.ge [sflag:s4], $0x0  }
0x19: {  	s7 =	sld [smem:$0x3F9B]  }
0x1a: {  	s8 =	sadd.s32 $0xFFFFE003, lr  }
0x1b: {  	s9 =	sadd.s32 $0xFFFFFEF7, lr;
	s5 =	simm.s32 $0xFFFFFFFF;
	p2 =	slt.u32 s8, $0xFFFFF086  }
0x1c: {  	p1 =	slt.u32 s9, $0xF7A;
	s5 =	simm.s32 @!p2 $0x0  }
0x1d: {  	s5 =	simm.s32 @p1 $0x1;
	p0 =	seq.s32 s7, s2  }
0x1e: {  	s7 =	smul.u32 @!p0 $0xF7A, s2;
	p2 =	seq.s32 @!p0 s5, $0x0  }
0x1f: {  	s9 =	smul.u32 $0xF7A, s1;
	s8 =	simm.s32 @!p0 $0x1BF5;
	p2 =	por !p2, p0  }
0x20: {  	[sflag:s8] =	ssyncset.s32 @!p0 $0xFFFFF086;
	s6 =	sadd.s32 @!p0 s3, s7;
	s7 =	simm.s32 @!p0 $0x108  }
0x21: {  	s3 =	sadd.s32 s3, s9;
	s6 =	sadd.s32 @!p0 $0x88, s6;
	s7 =	simm.s32 @p2 $0x1082  }
0x22: {  	[simem:s7], [sflag:s8] =	dma.local @!p0 [hbm:s6], $0xF7A  }
0x23: {  	s9 =	sor.u32 $0xD0000000, s2;
	s6 =	simm.s32 $0x108;
	_ =	swait.ge @!p0 [sflag:s8], $0x0  }
0x24: {  	s3 =	sadd.s32 $0x88, s3;
	s6 =	simm.s32 @!p1 $0x1082;
	[sflag:s4] =	ssyncset.s32 $0xFFFFF086  }
0x25: {  	[simem:s6], [sflag:s4] =	dma.local [hbm:s3], $0xF7A  }
0x26: {  	[smem:$0x3F9B] =	sst s1;
	(tag) =	ssettag s2;
	_ =	strace s9  }
0x27: {  	s1 =	sld [smem:$0x3FAB]  }
0x28: {  	s2 =	sld [smem:$0x3FAC]  }
0x29: {  	s4 =	sld [smem:$0x3FAE]  }
0x2a: {  	p0 =	seq.s32 s5, $0x0;
	s5 =	sld [smem:$0x3FAF]  }
0x2b: {  	s6 =	sld [smem:$0x3FB0]  }
0x2c: {  	s7 =	sld [smem:$0x3FB1]  }
0x2d: {  	s3 =	simm.s32 $0x108;
	s8 =	sld [smem:$0x3FB2]  }
0x2e: {  	s3 =	simm.s32 @!p0 $0x1082;
	s9 =	sld [smem:$0x3FB3]  }
0x2f: {  	lr =	sadd.s32 s0, s3;
	s0 =	sld [smem:$0x3FAA]  }
0x30: {  	s3 =	sld [smem:$0x3FAD]  }
0x31: {  	[smem:$0x3FB6] =	sst s10  }
0x32: {  	s10 =	sld [smem:$0x3FB4];
	_ =	sdelay $0x3  }
0x33: {  	p0 =	seq.s32 s10, $0x1;
	s10 =	sld [smem:$0x3FB6];
	_ =	sdelay $0x3  }
0x34: {  	[smem:$0x3FB6] =	sst s10  }
0x35: {  	s10 =	sld [smem:$0x3FB5];
	_ =	sdelay $0x3  }
0x36: {  	p1 =	seq.s32 s10, $0x1;
	s10 =	sld [smem:$0x3FB6];
	_ =	sdelay $0x3  }
0x37: {  	[smem:$0x3FB6] =	sst s10  }
0x38: {  	s10 =	sld [smem:$0x3FB7]  }
0x39: {  	_ = 	snop;
	(pc) =	sbr.ind lr, $3  }
0x3a: {  	_ = 	snop  }
0x3b: {  	_ = 	snop  }
0x3c: {  	p2 =	seq.s32 s10, $0x1;
	s10 =	sld [smem:$0x3FB6]  }
0x3d: {  	_ =	shalt  }
0x3e: {  	_ =	shalt  }
0x3f: {  	_ =	shalt  }
0x40: {  	_ =	shalt  }
0x41: {  	_ =	shalt  }
0x42: {  	_ =	shalt  }
0x43: {  	_ =	shalt  }
0x44: {  	_ =	shalt  }
0x45: {  	_ =	shalt  }
0x46: {  	_ =	shalt  }
0x47: {  	_ =	shalt  }
0x48: {  	_ =	shalt  }
0x49: {  	_ =	shalt  }
0x4a: {  	_ =	shalt  }
0x4b: {  	_ =	shalt  }
0x4c: {  	_ =	shalt  }
0x4d: {  	_ =	shalt  }
0x4e: {  	_ =	shalt  }
0x4f: {  	_ =	shalt  }
0x50: {  	_ =	shalt  }
0x51: {  	_ =	shalt  }
0x52: {  	_ =	shalt  }
0x53: {  	_ =	shalt  }
0x54: {  	_ =	shalt  }
0x55: {  	_ =	shalt  }
0x56: {  	_ =	shalt  }
0x57: {  	_ =	shalt  }
0x58: {  	_ =	shalt  }
0x59: {  	_ =	shalt  }
0x5a: {  	_ =	shalt  }
0x5b: {  	_ =	shalt  }
0x5c: {  	_ =	shalt  }
0x5d: {  	_ =	shalt  }
0x5e: {  	_ =	shalt  }
0x5f: {  	_ =	shalt  }
0x60: {  	_ =	shalt  }
0x61: {  	_ =	shalt  }
0x62: {  	_ =	shalt  }
0x63: {  	_ =	shalt  }
0x64: {  	_ =	shalt  }
0x65: {  	_ =	shalt  }
0x66: {  	_ =	shalt  }
0x67: {  	_ =	shalt  }
0x68: {  	_ =	shalt  }
0x69: {  	_ =	shalt  }
0x6a: {  	_ =	shalt  }
0x6b: {  	_ =	shalt  }
0x6c: {  	_ =	shalt  }
0x6d: {  	_ =	shalt  }
0x6e: {  	_ =	shalt  }
0x6f: {  	_ =	shalt  }
0x70: {  	_ =	shalt  }
0x71: {  	_ =	shalt  }
0x72: {  	_ =	shalt  }
0x73: {  	_ =	shalt  }
0x74: {  	_ =	shalt  }
0x75: {  	_ =	shalt  }
0x76: {  	_ =	shalt  }
0x77: {  	_ =	shalt  }
0x78: {  	_ =	shalt  }
0x79: {  	_ =	shalt  }
0x7a: {  	_ =	shalt  }
0x7b: {  	_ =	shalt  }
0x7c: {  	_ =	shalt  }
0x7d: {  	_ =	shalt  }
0x7e: {  	_ =	shalt  }
0x7f: {  	_ =	shalt  }
0x80: {  	_ =	shalt  }
0x81: {  	_ =	shalt  }
0x82: {  	_ =	shalt  }
0x83: {  	_ =	shalt  }
0x84: {  	_ =	shalt  }
0x85: {  	_ =	shalt  }
0x86: {  	_ =	shalt  }
0x87: {  	_ =	shalt  }
.Lfunc_end0:
.L_simem_size_0:
called_computation.2_lowered:
.L_overlay_start_0:
0x88: {  	s2 =	sld [smem:$0x3FD9]  }
0x89: {  	s3 =	sld [smem:$0x3FFE];
	_ =	sdelay $0x1  }
0x8a: {  	s1 =	srdreg.scid  }
0x8b: {  	s0 =	sand.u32 $0x1, s1  }
0x8c: {  	s16 =	sshll.u32 s0, $0xA;
	s2 =	sadd.s32 s3, s2  }
0x8d: {  	s2 =	sadd.s32 s2, s16  }
0x8e: {  	[smem:$0x3FC2] =	sst s2  }
0x8f: {  	_ = 	snop  }
0x90: {  	(tm) =	ssettm $0x1  }
0x91: {  	s17 =	sld [smem:$0x3FFB];
	_ =	sdelay $0x3  }
0x92: {  	_ =	strace s17  }
0x93: {  	s2 =	sld [smem:$0x3FFC];
	_ =	sdelay $0x3  }
0x94: {  	_ =	strace s2  }
0x95: {  	s2 =	sld [smem:$0x3FFD];
	_ =	sdelay $0x3  }
0x96: {  	_ =	strace s2  }
0x97: {  	_ =	strace $0x8FFFFFFF  }
0x98: {  	s18 =	sld [smem:$0x3FDB];
	_ =	sdelay $0x1  }
0x99: {  	s19 =	simm.s32 $_scs_section_size  }
0x9a: {  	s4 =	simm.s32 $_size__tile_overlayer_lowered;
	s5 =	simm.s32 $_tile_overlayer_lowered  }
0x9b: {  	s22 =	simm.s32 $0x1BFF;
	s21 =	sshll.u32 s5, $0x1;
	s2 =	sadd.s32 s19, s18  }
0x9c: {  	s6 =	simm.s32 $0x0;
	s20 =	sshll.u32 s4, $0x1;
	s4 =	sadd.s32 s21, s2  }
0x9d: {  	[timem:s6], [sflag:s22] =	dma.local [hbm:s4], s20  }
0x9e: {  	_ =	swait.ge [sflag:s22], s20  }
0x9f: {  	s3 =	ssub.s32 $0x0, s20;
	[sflag:s22] =	ssyncset.done $0x0  }
0xa0: {  	[sflag:s22] =	ssyncadd.s32 s3;
	_ =	sdelay $0x1  }
0xa1: {  	s23 =	simm.s32 $0x1B8B  }
0xa2: {  	_ =	swait.ge [sflag:s23], $0x1  }
0xa3: {  	[sflag:s23] =	ssyncset.done $0x0  }
0xa4: {  	s25 =	simm.s32 $0x1B8E;
	s24 =	sld [smem:$0x3FFE];
	[sflag:s23] =	ssyncadd.s32 $0xFFFFFFFF  }
0xa5: {  	s26 =	simm.s32 $execute0_lowered;
	[smem:$0x3FD2] =	sst s25  }
0xa6: {  	s4 =	sshll.u32 s26, $0x1;
	_ =	strace $0x8000004C;
	[dreg:$0x1] =	wrdreg $0xFFFFFFFF  }
0xa7: {  	s28 =	simm.s32 $_size_execute0_lowered;
	s2 =	sadd.s32 s2, s4;
	[dreg:$0x0] =	wrdreg $0x0  }
0xa8: {  	s4 =	sshll.u32 s28, $0x1;
	[dreg:$0x2] =	wrdreg s2  }
0xa9: {  	[dreg:$0x3] =	wrdreg s4  }
0xaa: {  	[dreg:$0x4] =	wrdreg $0xC0  }
0xab: {  	_ =	task [dreg:s6], $0x5FFFF  }
0xac: {  	[dreg:$0x1] =	wrdreg $0xFFFFFFFF  }
0xad: {  	[dreg:$0x0] =	wrdreg $0x60  }
0xae: {  	[dreg:$0x2] =	wrdreg s24  }
0xaf: {  	[dreg:$0x3] =	wrdreg $0x167900  }
0xb0: {  	[dreg:$0x4] =	wrdreg $0x9  }
0xb1: {  	_ =	task.clear_ibuf [dreg:s6], $0x5FFFF;
	_ =	strace $0x9000004C  }
0xb2: {  	s29 =	simm.s32 $0x9;
	_ =	strace $0x8000004E  }
0xb3: {  	_ =	swait.ge [sflag:s29], $0x1  }
0xb4: {  	[sflag:s29] =	ssyncadd.s32 $0xFFFFFFFF  }
0xb5: {  	_ =	strace $0x9000004E  }
0xb6: {  	_ =	sfence  }
0xb7: {  	s30 =	sld [smem:$0x0];
	_ =	sdelay $0x2  }
0xb8: {  	s31 =	sshll.u32 s1, $0xD;
	s1 =	sshrl.u32 s1, $0x2  }
0xb9: {  	s3 =	sand.u32 $0x4000, s31;
	s1 =	sadd.s32 s1, s30  }
0xba: {  	s0 =	sor.u32 s3, s0;
	s1 =	sshll.u32 s1, $0x11  }
0xbb: {  	s0 =	sor.u32 s1, s0  }
0xbc: {  	s0 =	sadd.s32 $0x8F2B, s0  }
0xbd: {  	[sflag:s0] =	ssyncadd.remote.s32 $0x1  }
0xbe: {  	_ =	sfence.sel $0xFFFF  }
0xbf: {  	[dreg:$0x0] =	wrdreg $0xFFFFFFFF;
	(pc) =	sbr.abs _section_cstart, $3  }
0xc0: {  	[dreg:$0x1] =	wrdreg $0xFFFFFFFF  }
0xc1: {  	_ =	task.clear_ibuf [dreg:s6], $0x2FFFF;
	_ =	strace $0x9FFFFFFF  }
0xc2: {  	(tm) =	ssettm $0x7FFFFFFF  }
0xc3: {  	_ =	shalt  }
tec
execute0_lowered:
.L_overlay_start_1:
0x0: {  	(tag) =	ssettag $0x1  }
0x1: {  	s6 =	rddreg [dreg:$0x0]  }
0x2: {  	s0 =	srdreg.scid;
	s2 =	rddreg [dreg:$0x1]  }
0x3: {  	s3 =	simm.s32 $0x0;
	s14 =	simm.s32 $0x1388;
	s15 =	simm.s32 $0x1  }
0x4: {  	s16 =	simm.s32 $0x2710;
	s17 =	simm.s32 $0x15F90;
	s18 =	simm.s32 $0x3  }
0x5: {  	s19 =	simm.s32 $0x2;
	s5 =	sand.u32 $0x1, s0;
	s0 =	stileid.u32  }
0x6: {  	s22 =	simm.s32 $0x0;
	[smem:$0x7FF] =	sst s3;
	s8 =	smul.u32 $0x28000, s5  }
0x7: {  	s4 =	sadd.s32 $0xC800, s6;
	s1 =	sshll.u32 s5, $0x4;
	s9 =	smul.u32 $0x2800, s0  }
0x8: {  	s5 =	ssub.s32 $0x2, s5;
	s11 =	smul.u32 $0xA000, s0;
	s20 =	sshll.u32 s0, $0x6  }
0x9: {  	s1 =	sor.u32 s0, s1;
	s10 =	sshrl.u32 s5, $0x1;
	s20 =	sor.u32 $0x1C03, s20  }
0xa: {  	s7 =	smul.u32 $0x1388, s1;
	s1 =	rddreg [dreg:$0x2];
	_ =	strace $0x8000004D  }
0xb: {  	s8 =	sadd.s32 s9, s8;
	s10 =	ssub.s32 s5, s10;
	s31 =	sshrl.u32 s11, $0x2  }
0xc: {  	s21 =	sadd.s32 s9, s2;
	s8 =	sshrl.u32 s8, $0x3;
	s7 =	sshrl.u32 s7, $0x3  }
0xd: {  	s9 =	smax.u32 s10, $0x1;
	s8 =	sadd.s32 s8, s6;
	s7 =	sadd.s32 s7, s6  }
0xe: {  	s5 =	sadd.s32 $0x2A00, s7;
	s6 =	sadd.s32 $0x7820, s7;
	s7 =	sadd.s32 s31, s2  }
0xf: {  	s21 =	sshrl.u32 s21, $0x3;
	s8 =	sadd.s32 $0x11800, s8;
	s10 =	sadd.s32 $0x800, s7  }
0x10: {  	v0 =	vimm.f32 $0.0e+00;
	s11 =	sadd.s32 $0x1000, s7;
	s12 =	sadd.s32 $0x1800, s7;
	s13 =	sadd.s32 $0x2000, s7  }
.LBB2_1:
0x11: {  	[tilespmem:s3], [sflag:$0x1] =	stream.linear.gather [hbm4b:s5+s3], $0x1388, $0x38;
	[tilespmem:$0x18F90] =	vst v63  }
0x12: {  	s23 =	simm.s32 $0x0;
	s24 =	simm.s32 $0x200  }
0x13: {  	[tilespmem:s14], [sflag:$0x1] =	stream.linear.gather [hbm4b:s6+s3], $0x1388, $0x38;
	[tilespmem:$0x18F90] =	vst v63  }
.LBB2_2:
0x14: {  	p0 =	sne.s32 s24, $0x1E00;
	[tilespmem:s23+$0x16000] =	vst v0  }
0x15: {  	[tilespmem:s23+$0x15F90] =	vst v0  }
0x16: {  	[tilespmem:s23+$0x15FA0] =	vst v0  }
.Ltmp0:
0x17: {  	[tilespmem:s23+$0x15FB0] =	vst v0;
	(pc) =	sbr.rel @p0 .LBB2_2-.Ltmp0, $4  }
0x18: {  	[tilespmem:s23+$0x15FC0] =	vst v0  }
0x19: {  	[tilespmem:s23+$0x15FD0] =	vst v0  }
0x1a: {  	[tilespmem:s23+$0x15FE0] =	vst v0  }
0x1b: {  	[tilespmem:s23+$0x15FF0] =	vst v0;
	s23 =	sshra.s32 s24, $0x2;
	s24 =	sadd.s32 $0x200, s24  }
0x1c: {  	[tilespmem:s23+$0x16000] =	vst v0  }
0x1d: {  	[tilespmem:s23+$0x15F90] =	vst v0  }
0x1e: {  	[tilespmem:s23+$0x15FA0] =	vst v0  }
0x1f: {  	[tilespmem:s23+$0x15FB0] =	vst v0  }
0x20: {  	[tilespmem:s23+$0x15FC0] =	vst v0  }
0x21: {  	[tilespmem:s23+$0x15FD0] =	vst v0  }
0x22: {  	[tilespmem:s23+$0x15FE0] =	vst v0  }
0x23: {  	[tilespmem:s23+$0x15FF0] =	vst v0  }
0x24: {  	_ =	swait.ge [sflag:s15], $0x1388  }
0x25: {  	[sflag:s15] =	ssyncset.done $0x0  }
0x26: {  	[sflag:s15] =	ssyncadd.s32 $0xFFFFEC78  }
0x27: {  	[tilespmem:s16], [sflag:$0x2] =	stream.indirect.gather [hbm4b:s4+s14], $0x10, s3, s14, $0xb8;
	[tilespmem:$0x18F90] =	vst v63  }
0x28: {  	_ = 	snop  }
0x29: {  	[spmem:s7] =	stream.linear.scatter [tilespmem:s17], [sflag:$0x3], $0x800, $0x38;
	[tilespmem:$0x18F90] =	vst v63  }
0x2a: {  	_ =	swait.ge [sflag:s18], $0x800  }
0x2b: {  	[sflag:s18] =	ssyncset.done $0x0  }
0x2c: {  	[sflag:s18] =	ssyncadd.s32 $0xFFFFF800  }
0x2d: {  	[spmem:s10] =	stream.linear.scatter [tilespmem:s17], [sflag:$0x3], $0x800, $0x38;
	[tilespmem:$0x18F90] =	vst v63  }
0x2e: {  	_ =	swait.ge [sflag:s18], $0x800  }
0x2f: {  	[sflag:s18] =	ssyncset.done $0x0  }
0x30: {  	[sflag:s18] =	ssyncadd.s32 $0xFFFFF800  }
0x31: {  	[spmem:s11] =	stream.linear.scatter [tilespmem:s17], [sflag:$0x3], $0x800, $0x38;
	[tilespmem:$0x18F90] =	vst v63  }
0x32: {  	_ =	swait.ge [sflag:s18], $0x800  }
0x33: {  	[sflag:s18] =	ssyncset.done $0x0  }
0x34: {  	[sflag:s18] =	ssyncadd.s32 $0xFFFFF800  }
0x35: {  	[spmem:s12] =	stream.linear.scatter [tilespmem:s17], [sflag:$0x3], $0x800, $0x38;
	[tilespmem:$0x18F90] =	vst v63  }
0x36: {  	_ =	swait.ge [sflag:s18], $0x800  }
0x37: {  	[sflag:s18] =	ssyncset.done $0x0  }
0x38: {  	[sflag:s18] =	ssyncadd.s32 $0xFFFFF800  }
0x39: {  	[spmem:s13] =	stream.linear.scatter [tilespmem:s17], [sflag:$0x3], $0x800, $0x38;
	[tilespmem:$0x18F90] =	vst v63  }
0x3a: {  	_ =	swait.ge [sflag:s18], $0x800  }
0x3b: {  	[sflag:s18] =	ssyncset.done $0x0  }
0x3c: {  	[sflag:s18] =	ssyncadd.s32 $0xFFFFF800  }
0x3d: {  	_ =	swait.ge [sflag:s15], $0x1388  }
0x3e: {  	[sflag:s15] =	ssyncset.done $0x0  }
0x3f: {  	[sflag:s15] =	ssyncadd.s32 $0xFFFFEC78  }
0x40: {  	[bflag:$0x0] =	sbarrier.arrive $0xFFFF  }
0x41: {  	_ =	swait.ge [sflag:s19], $0x13880  }
0x42: {  	[sflag:s19] =	ssyncset.done $0x0  }
0x43: {  	[sflag:s19] =	ssyncadd.s32 $0xFFFEC780  }
0x44: {  	[spmem:s2] =	stream.indirect.scatter.add.f32 [tilespmem:s16], [sflag:$0x3], $0x10, s14, s14, $0xb8;
	[tilespmem:$0x18F90] =	vst v63  }
0x45: {  	_ =	swait.ge [sflag:s18], $0x13880  }
0x46: {  	s22 =	sadd.s32 $0x1, s22;
	[sflag:s18] =	ssyncset.done $0x0  }
0x47: {  	p0 =	sne.s32 s22, s9;
	[sflag:s18] =	ssyncadd.s32 $0xFFFEC780  }
.Ltmp1:
0x48: {  	[bflag:$0x0] =	sbarrier.arrive $0xFFFF;
	(pc) =	sbr.rel @p0 .LBB2_1-.Ltmp1, $4  }
0x49: {  	[hbm:s8], [sflag:s20] =	dma.local [spmem:s21], $0x500  }
0x4a: {  	_ =	swait.ge [sflag:s18], $0x500  }
0x4b: {  	[sflag:s18] =	ssyncset.done $0x0  }
0x4c: {  	[sflag:s18] =	ssyncadd.s32 $0xFFFFFB00  }
0x4d: {  	_ =	sfence.sel $0x180000  }
0x4e: {  	[bflag:$0x0] =	sbarrier.arrive $0xFFFF  }
0x4f: {  	p0 =	sne.s32 s0, $0x0;
	_ =	strace $0x9000004D  }
0x50: {  	s0 =	sadd.s32 @!p0 $0x100000, s1;
	[bflag:$0x2] =	sbarrier.arrive $0xFFFF  }
0x51: {  	[sflag:s0] =	ssyncadd.tile.s32 @!p0 $0x1;
	_ =	shalt  }
.Lfunc_end2:
_tile_overlayer_lowered:
.L_overlay_start_2:
0x52: {  	(tag) =	ssettag $0x2  }
0x53: {  	s0 =	rddreg [dreg:$0x0];
	s2 =	stileid.u32  }
0x54: {  	s1 =	rddreg [dreg:$0x1];
	p0 =	sne.s32 s2, $0x0  }
0x55: {  	s3 =	rddreg [dreg:$0x2];
	[bflag:$0x3] =	sbarrier.arrive $0xFFFF;
	s2 =	simm.s32 @!p0 $0x1C03  }
0x56: {  	[timem:s3], [sflag:s2] =	dma.local @!p0 [hbm:s0], s1  }
0x57: {  	s0 =	simm.s32 @!p0 $0x3  }
0x58: {  	_ =	swait.ge @!p0 [sflag:s0], s1  }
0x59: {  	s1 =	ssub.s32 @!p0 $0x0, s1;
	[sflag:s0] =	ssyncset.done @!p0 $0x0  }
0x5a: {  	[sflag:s0] =	ssyncadd.s32 @!p0 s1  }
0x5b: {  	[bflag:$0x3] =	sbarrier.arrive $0xFFFF  }
0x5c: {  	_ =	shalt  }

// kernel: kernel.8.cloned.1.call-start
scs
__scs_entry_jumppad:
0x0: {  	(pc) =	sbr.rel $0x88, $3  }
0x1: {  	(tag) =	ssettag $0x0;
	lr =	simm.s32 $0x1  }
0x2: {  	[smem:$0x3F9B] =	sst lr;
	_ =	strace $0xD0000000  }
0x3: {  	_ = 	snop  }
0x4: {  	_ = 	snop  }
0x5: {  	_ = 	snop  }
0x6: {  	_ = 	snop  }
0x7: {  	_ = 	snop  }
__scs_overlays_trampoline_lowered:
0x8: {  	[smem:$0x3FAA] =	sst s0  }
0x9: {  	[smem:$0x3FAB] =	sst s1  }
0xa: {  	[smem:$0x3FAC] =	sst s2  }
0xb: {  	[smem:$0x3FAD] =	sst s3  }
0xc: {  	[smem:$0x3FAE] =	sst s4  }
0xd: {  	[smem:$0x3FAF] =	sst s5  }
0xe: {  	[smem:$0x3FB0] =	sst s6  }
0xf: {  	[smem:$0x3FB1] =	sst s7  }
0x10: {  	[smem:$0x3FB2] =	sst s8  }
0x11: {  	[smem:$0x3FB3] =	sst s9;
	s0 =	simm.s32 @!p0 $0x0  }
0x12: {  	s1 =	sld [smem:$0x3F99];
	s0 =	simm.s32 @p0 $0x1  }
0x13: {  	[smem:$0x3FB4] =	sst s0;
	s0 =	simm.s32 @!p1 $0x0  }
0x14: {  	s2 =	sld [smem:$0x3F98];
	s0 =	simm.s32 @p1 $0x1  }
0x15: {  	[smem:$0x3FB5] =	sst s0;
	s0 =	simm.s32 @!p2 $0x0  }
0x16: {  	s3 =	sld [smem:$0x3FDB];
	s0 =	simm.s32 @p2 $0x1  }
0x17: {  	s4 =	simm.s32 $0x1BF5;
	[smem:$0x3FB7] =	sst s0  }
0x18: {  	s0 =	sld [smem:$0x3F9A];
	_ =	swait.ge [sflag:s4], $0x0  }
0x19: {  	s7 =	sld [smem:$0x3F9B]  }
0x1a: {  	s8 =	sadd.s32 $0xFFFFE003, lr  }
0x1b: {  	s9 =	sadd.s32 $0xFFFFFEF7, lr;
	s5 =	simm.s32 $0xFFFFFFFF;
	p2 =	slt.u32 s8, $0xFFFFF086  }
0x1c: {  	p1 =	slt.u32 s9, $0xF7A;
	s5 =	simm.s32 @!p2 $0x0  }
0x1d: {  	s5 =	simm.s32 @p1 $0x1;
	p0 =	seq.s32 s7, s2  }
0x1e: {  	s7 =	smul.u32 @!p0 $0xF7A, s2;
	p2 =	seq.s32 @!p0 s5, $0x0  }
0x1f: {  	s9 =	smul.u32 $0xF7A, s1;
	s8 =	simm.s32 @!p0 $0x1BF5;
	p2 =	por !p2, p0  }
0x20: {  	[sflag:s8] =	ssyncset.s32 @!p0 $0xFFFFF086;
	s6 =	sadd.s32 @!p0 s3, s7;
	s7 =	simm.s32 @!p0 $0x108  }
0x21: {  	s3 =	sadd.s32 s3, s9;
	s6 =	sadd.s32 @!p0 $0x88, s6;
	s7 =	simm.s32 @p2 $0x1082  }
0x22: {  	[simem:s7], [sflag:s8] =	dma.local @!p0 [hbm:s6], $0xF7A  }
0x23: {  	s9 =	sor.u32 $0xD0000000, s2;
	s6 =	simm.s32 $0x108;
	_ =	swait.ge @!p0 [sflag:s8], $0x0  }
0x24: {  	s3 =	sadd.s32 $0x88, s3;
	s6 =	simm.s32 @!p1 $0x1082;
	[sflag:s4] =	ssyncset.s32 $0xFFFFF086  }
0x25: {  	[simem:s6], [sflag:s4] =	dma.local [hbm:s3], $0xF7A  }
0x26: {  	[smem:$0x3F9B] =	sst s1;
	(tag) =	ssettag s2;
	_ =	strace s9  }
0x27: {  	s1 =	sld [smem:$0x3FAB]  }
0x28: {  	s2 =	sld [smem:$0x3FAC]  }
0x29: {  	s4 =	sld [smem:$0x3FAE]  }
0x2a: {  	p0 =	seq.s32 s5, $0x0;
	s5 =	sld [smem:$0x3FAF]  }
0x2b: {  	s6 =	sld [smem:$0x3FB0]  }
0x2c: {  	s7 =	sld [smem:$0x3FB1]  }
0x2d: {  	s3 =	simm.s32 $0x108;
	s8 =	sld [smem:$0x3FB2]  }
0x2e: {  	s3 =	simm.s32 @!p0 $0x1082;
	s9 =	sld [smem:$0x3FB3]  }
0x2f: {  	lr =	sadd.s32 s0, s3;
	s0 =	sld [smem:$0x3FAA]  }
0x30: {  	s3 =	sld [smem:$0x3FAD]  }
0x31: {  	[smem:$0x3FB6] =	sst s10  }
0x32: {  	s10 =	sld [smem:$0x3FB4];
	_ =	sdelay $0x3  }
0x33: {  	p0 =	seq.s32 s10, $0x1;
	s10 =	sld [smem:$0x3FB6];
	_ =	sdelay $0x3  }
0x34: {  	[smem:$0x3FB6] =	sst s10  }
0x35: {  	s10 =	sld [smem:$0x3FB5];
	_ =	sdelay $0x3  }
0x36: {  	p1 =	seq.s32 s10, $0x1;
	s10 =	sld [smem:$0x3FB6];
	_ =	sdelay $0x3  }
0x37: {  	[smem:$0x3FB6] =	sst s10  }
0x38: {  	s10 =	sld [smem:$0x3FB7]  }
0x39: {  	_ = 	snop;
	(pc) =	sbr.ind lr, $3  }
0x3a: {  	_ = 	snop  }
0x3b: {  	_ = 	snop  }
0x3c: {  	p2 =	seq.s32 s10, $0x1;
	s10 =	sld [smem:$0x3FB6]  }
0x3d: {  	_ =	shalt  }
0x3e: {  	_ =	shalt  }
0x3f: {  	_ =	shalt  }
0x40: {  	_ =	shalt  }
0x41: {  	_ =	shalt  }
0x42: {  	_ =	shalt  }
0x43: {  	_ =	shalt  }
0x44: {  	_ =	shalt  }
0x45: {  	_ =	shalt  }
0x46: {  	_ =	shalt  }
0x47: {  	_ =	shalt  }
0x48: {  	_ =	shalt  }
0x49: {  	_ =	shalt  }
0x4a: {  	_ =	shalt  }
0x4b: {  	_ =	shalt  }
0x4c: {  	_ =	shalt  }
0x4d: {  	_ =	shalt  }
0x4e: {  	_ =	shalt  }
0x4f: {  	_ =	shalt  }
0x50: {  	_ =	shalt  }
0x51: {  	_ =	shalt  }
0x52: {  	_ =	shalt  }
0x53: {  	_ =	shalt  }
0x54: {  	_ =	shalt  }
0x55: {  	_ =	shalt  }
0x56: {  	_ =	shalt  }
0x57: {  	_ =	shalt  }
0x58: {  	_ =	shalt  }
0x59: {  	_ =	shalt  }
0x5a: {  	_ =	shalt  }
0x5b: {  	_ =	shalt  }
0x5c: {  	_ =	shalt  }
0x5d: {  	_ =	shalt  }
0x5e: {  	_ =	shalt  }
0x5f: {  	_ =	shalt  }
0x60: {  	_ =	shalt  }
0x61: {  	_ =	shalt  }
0x62: {  	_ =	shalt  }
0x63: {  	_ =	shalt  }
0x64: {  	_ =	shalt  }
0x65: {  	_ =	shalt  }
0x66: {  	_ =	shalt  }
0x67: {  	_ =	shalt  }
0x68: {  	_ =	shalt  }
0x69: {  	_ =	shalt  }
0x6a: {  	_ =	shalt  }
0x6b: {  	_ =	shalt  }
0x6c: {  	_ =	shalt  }
0x6d: {  	_ =	shalt  }
0x6e: {  	_ =	shalt  }
0x6f: {  	_ =	shalt  }
0x70: {  	_ =	shalt  }
0x71: {  	_ =	shalt  }
0x72: {  	_ =	shalt  }
0x73: {  	_ =	shalt  }
0x74: {  	_ =	shalt  }
0x75: {  	_ =	shalt  }
0x76: {  	_ =	shalt  }
0x77: {  	_ =	shalt  }
0x78: {  	_ =	shalt  }
0x79: {  	_ =	shalt  }
0x7a: {  	_ =	shalt  }
0x7b: {  	_ =	shalt  }
0x7c: {  	_ =	shalt  }
0x7d: {  	_ =	shalt  }
0x7e: {  	_ =	shalt  }
0x7f: {  	_ =	shalt  }
0x80: {  	_ =	shalt  }
0x81: {  	_ =	shalt  }
0x82: {  	_ =	shalt  }
0x83: {  	_ =	shalt  }
0x84: {  	_ =	shalt  }
0x85: {  	_ =	shalt  }
0x86: {  	_ =	shalt  }
0x87: {  	_ =	shalt  }
.Lfunc_end0:
.L_simem_size_0:
called_computation_lowered:
.L_overlay_start_0:
0x88: {  	s2 =	sld [smem:$0x3FD9]  }
0x89: {  	s3 =	sld [smem:$0x3FFE];
	_ =	sdelay $0x1  }
0x8a: {  	s1 =	srdreg.scid  }
0x8b: {  	s0 =	sand.u32 $0x1, s1  }
0x8c: {  	s16 =	sshll.u32 s0, $0xA;
	s2 =	sadd.s32 s3, s2  }
0x8d: {  	s2 =	sadd.s32 s2, s16  }
0x8e: {  	[smem:$0x3FC2] =	sst s2  }
0x8f: {  	_ = 	snop  }
0x90: {  	(tm) =	ssettm $0x1  }
0x91: {  	s17 =	sld [smem:$0x3FFB];
	_ =	sdelay $0x3  }
0x92: {  	_ =	strace s17  }
0x93: {  	s2 =	sld [smem:$0x3FFC];
	_ =	sdelay $0x3  }
0x94: {  	_ =	strace s2  }
0x95: {  	s2 =	sld [smem:$0x3FFD];
	_ =	sdelay $0x3  }
0x96: {  	_ =	strace s2  }
0x97: {  	_ =	strace $0x8FFFFFFF  }
0x98: {  	s18 =	sld [smem:$0x3FDB];
	_ =	sdelay $0x1  }
0x99: {  	s19 =	simm.s32 $_scs_section_size  }
0x9a: {  	s4 =	simm.s32 $_size__tile_overlayer_lowered;
	s5 =	simm.s32 $_tile_overlayer_lowered  }
0x9b: {  	s22 =	simm.s32 $0x1BFF;
	s21 =	sshll.u32 s5, $0x1;
	s2 =	sadd.s32 s19, s18  }
0x9c: {  	s6 =	simm.s32 $0x0;
	s20 =	sshll.u32 s4, $0x1;
	s4 =	sadd.s32 s21, s2  }
0x9d: {  	[timem:s6], [sflag:s22] =	dma.local [hbm:s4], s20  }
0x9e: {  	_ =	swait.ge [sflag:s22], s20  }
0x9f: {  	s3 =	ssub.s32 $0x0, s20;
	[sflag:s22] =	ssyncset.done $0x0  }
0xa0: {  	[sflag:s22] =	ssyncadd.s32 s3;
	_ =	sdelay $0x1  }
0xa1: {  	s23 =	simm.s32 $0x1B8B  }
0xa2: {  	_ =	swait.ge [sflag:s23], $0x1  }
0xa3: {  	[sflag:s23] =	ssyncset.done $0x0  }
0xa4: {  	s25 =	simm.s32 $0x1B8E;
	s24 =	sld [smem:$0x3FFE];
	[sflag:s23] =	ssyncadd.s32 $0xFFFFFFFF  }
0xa5: {  	s26 =	simm.s32 $execute0_lowered;
	[smem:$0x3FD2] =	sst s25  }
0xa6: {  	s4 =	sshll.u32 s26, $0x1;
	_ =	strace $0x80000046;
	[dreg:$0x1] =	wrdreg $0xFFFFFFFF  }
0xa7: {  	s28 =	simm.s32 $_size_execute0_lowered;
	s2 =	sadd.s32 s2, s4;
	[dreg:$0x0] =	wrdreg $0x0  }
0xa8: {  	s4 =	sshll.u32 s28, $0x1;
	[dreg:$0x2] =	wrdreg s2  }
0xa9: {  	[dreg:$0x3] =	wrdreg s4  }
0xaa: {  	[dreg:$0x4] =	wrdreg $0xC0  }
0xab: {  	_ =	task [dreg:s6], $0x5FFFF  }
0xac: {  	[dreg:$0x1] =	wrdreg $0xFFFFFFFF  }
0xad: {  	[dreg:$0x0] =	wrdreg $0x60  }
0xae: {  	[dreg:$0x2] =	wrdreg s24  }
0xaf: {  	[dreg:$0x3] =	wrdreg $0x9  }
0xb0: {  	_ =	task.clear_ibuf [dreg:s6], $0x4FFFF;
	_ =	strace $0x90000046  }
0xb1: {  	s29 =	simm.s32 $0x9;
	_ =	strace $0x80000048  }
0xb2: {  	_ =	swait.ge [sflag:s29], $0x1  }
0xb3: {  	[sflag:s29] =	ssyncadd.s32 $0xFFFFFFFF  }
0xb4: {  	_ =	strace $0x90000048  }
0xb5: {  	_ =	sfence  }
0xb6: {  	s30 =	sld [smem:$0x0];
	_ =	sdelay $0x2  }
0xb7: {  	s31 =	sshll.u32 s1, $0xD;
	s1 =	sshrl.u32 s1, $0x2  }
0xb8: {  	s3 =	sand.u32 $0x4000, s31;
	s1 =	sadd.s32 s1, s30  }
0xb9: {  	s0 =	sor.u32 s3, s0;
	s1 =	sshll.u32 s1, $0x11  }
0xba: {  	s0 =	sor.u32 s1, s0  }
0xbb: {  	s0 =	sadd.s32 $0x8F2B, s0  }
0xbc: {  	[sflag:s0] =	ssyncadd.remote.s32 $0x1  }
0xbd: {  	_ =	sfence.sel $0xFFFF  }
0xbe: {  	[dreg:$0x0] =	wrdreg $0xFFFFFFFF;
	(pc) =	sbr.abs _section_cstart, $3  }
0xbf: {  	[dreg:$0x1] =	wrdreg $0xFFFFFFFF  }
0xc0: {  	_ =	task.clear_ibuf [dreg:s6], $0x2FFFF;
	_ =	strace $0x9FFFFFFF  }
0xc1: {  	(tm) =	ssettm $0x7FFFFFFF  }
tec
execute0_lowered:
.L_overlay_start_1:
0x0: {  	(tag) =	ssettag $0x1  }
0x1: {  	s0 =	srdreg.scid;
	s4 =	rddreg [dreg:$0x0]  }
0x2: {  	s1 =	stileid.u32;
	s2 =	simm.s32 $0x0;
	s3 =	sand.u32 $0x1, s0  }
0x3: {  	s10 =	simm.s32 $0x1;
	s11 =	simm.s32 $0x2800;
	s5 =	sshll.u32 s3, $0x4  }
0x4: {  	s12 =	simm.s32 $0x2;
	s0 =	rddreg [dreg:$0x1];
	s5 =	sor.u32 s1, s5  }
0x5: {  	s13 =	simm.s32 $0x0;
	[smem:$0x7FF] =	sst s2;
	s6 =	smul.u32 $0x1388, s5  }
0x6: {  	s8 =	sadd.s32 $0xC800, s4;
	s3 =	ssub.s32 $0x2, s3;
	s7 =	smul.u32 $0x2800, s5  }
0x7: {  	_ =	strace $0x80000047;
	s30 =	sshrl.u32 s3, $0x1;
	s5 =	smul.u32 $0x500, s5  }
0x8: {  	s9 =	ssub.s32 s3, s30;
	s6 =	sshrl.u32 s6, $0x3;
	s7 =	sshrl.u32 s7, $0x3  }
0x9: {  	s5 =	sadd.s32 s8, s5;
	s6 =	sadd.s32 s6, s4;
	s31 =	sadd.s32 s8, s7  }
0xa: {  	s7 =	smax.u32 s9, $0x1;
	s8 =	simm.s32 $0x5000;
	s9 =	simm.s32 $0x6390  }
0xb: {  	v0 =	vimm.f32 $0.0e+00;
	v1 =	vimm.f32 $1.000000000e+00;
	s3 =	sadd.s32 $0x2A00, s6;
	s4 =	sadd.s32 $0x7820, s6;
	s6 =	sadd.s32 $0xA000, s31  }
.LBB2_1:
0xc: {  	[tilespmem:s8], [sflag:$0x1] =	stream.linear.gather [hbm4b:s3+s2], $0x1388, $0x38;
	[tilespmem:$0x7720] =	vst v63  }
0xd: {  	s14 =	simm.s32 $0x0;
	s15 =	simm.s32 $0x200  }
0xe: {  	[tilespmem:s9], [sflag:$0x1] =	stream.linear.gather [hbm4b:s4+s2], $0x1388, $0x38;
	[tilespmem:$0x7720] =	vst v63  }
.LBB2_2:
0xf: {  	p0 =	sne.s32 s15, $0x9E00;
	[tilespmem:s14+$0x2870] =	vst v0  }
0x10: {  	[tilespmem:s14+$0x0] =	vst v0  }
0x11: {  	[tilespmem:s14+$0x2800] =	vst v0  }
0x12: {  	[tilespmem:s14+$0x10] =	vst v0  }
0x13: {  	[tilespmem:s14+$0x2810] =	vst v0  }
0x14: {  	[tilespmem:s14+$0x20] =	vst v0  }
0x15: {  	[tilespmem:s14+$0x2820] =	vst v0  }
0x16: {  	[tilespmem:s14+$0x30] =	vst v0  }
0x17: {  	[tilespmem:s14+$0x2830] =	vst v0  }
0x18: {  	[tilespmem:s14+$0x40] =	vst v0  }
0x19: {  	[tilespmem:s14+$0x2840] =	vst v0  }
.Ltmp0:
0x1a: {  	[tilespmem:s14+$0x50] =	vst v0;
	(pc) =	sbr.rel @p0 .LBB2_2-.Ltmp0, $4  }
0x1b: {  	[tilespmem:s14+$0x2850] =	vst v0  }
0x1c: {  	[tilespmem:s14+$0x60] =	vst v0  }
0x1d: {  	[tilespmem:s14+$0x2860] =	vst v0  }
0x1e: {  	[tilespmem:s14+$0x70] =	vst v0;
	s14 =	sshra.s32 s15, $0x2;
	s15 =	sadd.s32 $0x200, s15  }
0x1f: {  	[tilespmem:s14+$0x2870] =	vst v0  }
0x20: {  	[tilespmem:s14+$0x0] =	vst v0  }
0x21: {  	[tilespmem:s14+$0x2800] =	vst v0  }
0x22: {  	[tilespmem:s14+$0x10] =	vst v0  }
0x23: {  	[tilespmem:s14+$0x2810] =	vst v0  }
0x24: {  	[tilespmem:s14+$0x20] =	vst v0  }
0x25: {  	[tilespmem:s14+$0x2820] =	vst v0  }
0x26: {  	[tilespmem:s14+$0x30] =	vst v0  }
0x27: {  	[tilespmem:s14+$0x2830] =	vst v0  }
0x28: {  	[tilespmem:s14+$0x40] =	vst v0  }
0x29: {  	[tilespmem:s14+$0x2840] =	vst v0  }
0x2a: {  	[tilespmem:s14+$0x50] =	vst v0  }
0x2b: {  	[tilespmem:s14+$0x2850] =	vst v0  }
0x2c: {  	[tilespmem:s14+$0x60] =	vst v0  }
0x2d: {  	[tilespmem:s14+$0x2860] =	vst v0  }
0x2e: {  	[tilespmem:s14+$0x70] =	vst v0  }
0x2f: {  	_ =	swait.ge [sflag:s10], $0x1388  }
0x30: {  	[sflag:s10] =	ssyncset.done $0x0  }
0x31: {  	[sflag:s10] =	ssyncadd.s32 $0xFFFFEC78  }
0x32: {  	_ =	swait.ge [sflag:s10], $0x1388  }
0x33: {  	[sflag:s10] =	ssyncset.done $0x0  }
0x34: {  	s14 =	simm.s32 $0x0;
	[sflag:s10] =	ssyncadd.s32 $0xFFFFEC78  }
.LBB2_4:
0x35: {  	s15 =	sshra.s32 s14, $0x2  }
0x36: {  	v2 =	vld [tilespmem:s15+$0x5000];
	_ =	sdelay $0x7  }
0x37: {  	[tilespmem:v2+s2+$0x0] =	vst.idx.add.f32.msk $0xffff, v1  }
0x38: {  	v2 =	vld [tilespmem:s15+$0x6390];
	_ =	sdelay $0x7  }
0x39: {  	[tilespmem:v2+s11+$0x0] =	vst.idx.add.f32.msk $0xffff, v1  }
0x3a: {  	v2 =	vld [tilespmem:s15+$0x5010];
	_ =	sdelay $0x7  }
0x3b: {  	[tilespmem:v2+s2+$0x0] =	vst.idx.add.f32.msk $0xffff, v1  }
0x3c: {  	v2 =	vld [tilespmem:s15+$0x63A0];
	_ =	sdelay $0x7  }
0x3d: {  	[tilespmem:v2+s11+$0x0] =	vst.idx.add.f32.msk $0xffff, v1  }
0x3e: {  	v2 =	vld [tilespmem:s15+$0x5020];
	_ =	sdelay $0x7  }
0x3f: {  	[tilespmem:v2+s2+$0x0] =	vst.idx.add.f32.msk $0xffff, v1  }
0x40: {  	v2 =	vld [tilespmem:s15+$0x63B0];
	_ =	sdelay $0x7  }
0x41: {  	[tilespmem:v2+s11+$0x0] =	vst.idx.add.f32.msk $0xffff, v1  }
0x42: {  	v2 =	vld [tilespmem:s15+$0x5030];
	_ =	sdelay $0x7  }
0x43: {  	[tilespmem:v2+s2+$0x0] =	vst.idx.add.f32.msk $0xffff, v1  }
0x44: {  	v2 =	vld [tilespmem:s15+$0x63C0];
	_ =	sdelay $0x2  }
0x45: {  	p0 =	sne.s32 s14, $0x4D00  }
.Ltmp1:
0x46: {  	_ = 	snop;
	(pc) =	sbr.rel @p0 .LBB2_4-.Ltmp1, $2  }
0x47: {  	_ =	sdelay $0x2  }
0x48: {  	s14 =	sadd.s32 $0x100, s14;
	[tilespmem:v2+s11+$0x0] =	vst.idx.add.f32.msk $0xffff, v1  }
0x49: {  	v2 =	vld [tilespmem:$0x6380];
	_ =	sdelay $0x7  }
0x4a: {  	[tilespmem:v2+s2+$0x0] =	vst.idx.add.f32.msk $0xff, v1  }
0x4b: {  	v2 =	vld [tilespmem:$0x7710];
	_ =	sdelay $0x7  }
0x4c: {  	[tilespmem:v2+s11+$0x0] =	vst.idx.add.f32.msk $0xff, v1  }
0x4d: {  	[hbm4b:s5+s2] =	stream.linear.scatter [tilespmem:s2], [sflag:$0x2], $0x2800, $0x38;
	[tilespmem:$0x7720] =	vst v63  }
0x4e: {  	s13 =	sadd.s32 $0x1, s13;
	_ =	swait.ge [sflag:s12], $0x2800  }
0x4f: {  	p0 =	sne.s32 s13, s7;
	[sflag:s12] =	ssyncset.done $0x0  }
.Ltmp2:
0x50: {  	[sflag:s12] =	ssyncadd.s32 $0xFFFFD800;
	(pc) =	sbr.rel @p0 .LBB2_1-.Ltmp2, $4  }
0x51: {  	[hbm4b:s6+s2] =	stream.linear.scatter [tilespmem:s11], [sflag:$0x2], $0x2800, $0x38;
	[tilespmem:$0x7720] =	vst v63  }
0x52: {  	_ =	swait.ge [sflag:s12], $0x2800  }
0x53: {  	[sflag:s12] =	ssyncset.done $0x0  }
0x54: {  	[sflag:s12] =	ssyncadd.s32 $0xFFFFD800  }
0x55: {  	_ =	sfence.sel $0x180000  }
0x56: {  	[bflag:$0x0] =	sbarrier.arrive $0xFFFF  }
0x57: {  	p0 =	sne.s32 s1, $0x0;
	_ =	strace $0x90000047  }
0x58: {  	s0 =	sadd.s32 @!p0 $0x100000, s0;
	[bflag:$0x2] =	sbarrier.arrive $0xFFFF  }
0x59: {  	[sflag:s0] =	ssyncadd.tile.s32 @!p0 $0x1;
	_ =	shalt  }
.Lfunc_end2:
_tile_overlayer_lowered:
.L_overlay_start_2:
0x5a: {  	(tag) =	ssettag $0x2  }
0x5b: {  	s0 =	rddreg [dreg:$0x0];
	s2 =	stileid.u32  }
0x5c: {  	s1 =	rddreg [dreg:$0x1];
	p0 =	sne.s32 s2, $0x0  }
0x5d: {  	s3 =	rddreg [dreg:$0x2];
	[bflag:$0x3] =	sbarrier.arrive $0xFFFF;
	s2 =	simm.s32 @!p0 $0x1C02  }
0x5e: {  	[timem:s3], [sflag:s2] =	dma.local @!p0 [hbm:s0], s1  }
0x5f: {  	s0 =	simm.s32 @!p0 $0x2  }
0x60: {  	_ =	swait.ge @!p0 [sflag:s0], s1  }
0x61: {  	s1 =	ssub.s32 @!p0 $0x0, s1;
	[sflag:s0] =	ssyncset.done @!p0 $0x0  }
0x62: {  	[sflag:s0] =	ssyncadd.s32 @!p0 s1  }
0x63: {  	[bflag:$0x3] =	sbarrier.arrive $0xFFFF  }
0x64: {  	_ =	shalt  }

</sc_bundles>
